<compile_context>
chip_gen: v7x
topology: tpu7x:2x2x1
jax: 0.10.2.dev20260603
libtpu: 0.0.44.dev20260713+nightly
codegen_flags: <defaults>
</compile_context>

<pallas_src>
import functools

import jax
import jax.numpy as jnp
from jax import lax
from jax.experimental import pallas as pl
from jax.experimental.pallas import tpu as pltpu
from jax.experimental.pallas import tpu_sc as plsc

B = 4
M = 4096
HW = 4096
KDIM = 256
VDIM = 3
THRESHOLD = 0.35 * 100 / M

TI = 512
NT = M // TI
NW = 32
RPW = B * M // NW
CH = 128
VW = 128
TW = KDIM + VW


def _key(x):
    return 2 * (lax.bitcast_convert_type(x, jnp.int32) - jnp.int32(536870912))


def _rank_body(sc_col_ref, sc_row_ref, mu_col_ref, mu_row_ref,
               r2_ref, ru_ref, wv_ref, pw_ref):
    it = pl.program_id(1)
    si = sc_col_ref[0]
    sj = sc_row_ref[0]
    ki = _key(si)
    kj = _key(sj)
    vi = _key(mu_col_ref[0])
    vj = _key(mu_row_ref[0])
    ii = lax.broadcasted_iota(jnp.int32, (TI, M), 0) + it * TI
    jj = lax.broadcasted_iota(jnp.int32, (TI, M), 1)
    jlt = (jj < ii).astype(jnp.int32)
    r2 = jnp.sum(((kj + jlt) > ki).astype(jnp.float32),
                 axis=1, keepdims=True)
    r2_ref[0] = r2.astype(jnp.int32)
    ru = jnp.sum((vj < (vi + jlt)).astype(jnp.float32),
                 axis=1, keepdims=True)
    ru_ref[0] = ru.astype(jnp.int32)
    wv_ref[0] = (si < THRESHOLD).astype(jnp.int32)
    pw = jnp.sum(((sj < THRESHOLD) & (jlt == 1)).astype(jnp.float32),
                 axis=1, keepdims=True)
    pw_ref[0] = pw.astype(jnp.int32)


def _ranks(scores, m_u):
    sc_col = scores.reshape(B * NT, TI, 1)
    sc_row = scores.reshape(B, 1, M)
    mu_col = m_u.reshape(B * NT, TI, 1)
    mu_row = m_u.reshape(B, 1, M)
    col_spec = pl.BlockSpec((1, TI, 1), lambda b, i: (b * NT + i, 0, 0))
    row_spec = pl.BlockSpec((1, 1, M), lambda b, i: (b, 0, 0))
    out_spec = pl.BlockSpec((1, TI, 1), lambda b, i: (b * NT + i, 0, 0))
    out_sds = jax.ShapeDtypeStruct((B * NT, TI, 1), jnp.int32)
    r2, ru, wv, pw = pl.pallas_call(
        _rank_body,
        grid=(B, NT),
        in_specs=[col_spec, row_spec, col_spec, row_spec],
        out_specs=[out_spec, out_spec, out_spec, out_spec],
        out_shape=[out_sds, out_sds, out_sds, out_sds],
    )(sc_col, sc_row, mu_col, mu_row)
    return (r2.reshape(B, M), ru.reshape(B, M), wv.reshape(B, M),
            pw.reshape(B, M))


def _compose_body(r2_ref, ru_ref, wv_ref, pw_ref, src_ref):
    b = pl.program_id(0)
    it = pl.program_id(1)
    r2r = r2_ref[0]
    rur = ru_ref[0]
    wvr = wv_ref[0]
    pwr = pw_ref[0]
    jcol = lax.broadcasted_iota(jnp.int32, (TI, M), 0) + it * TI
    irow = lax.broadcasted_iota(jnp.int32, (TI, M), 1)
    irow_f = irow.astype(jnp.float32)
    zero = jnp.zeros((), jnp.float32)
    tmat = (pwr == jcol) & (wvr == 1)
    t = jnp.sum(jnp.where(tmat, irow_f, zero), axis=1,
                keepdims=True).astype(jnp.int32)
    srcw = jnp.sum(jnp.where(r2r == t, irow_f, zero), axis=1,
                   keepdims=True).astype(jnp.int32)
    srcd = jnp.sum(jnp.where(rur == jcol, irow_f, zero), axis=1,
                   keepdims=True).astype(jnp.int32)
    cnt = jnp.sum(wvr.astype(jnp.float32)).astype(jnp.int32)
    jvec = jcol[:, :1]
    src_ref[0] = jnp.where(jvec < cnt, srcw + b * M,
                           srcd + b * M + B * M)


def _compose(r2, ru, wv, pw):
    rows = [x.reshape(B, 1, M) for x in (r2, ru, wv, pw)]
    row_spec = pl.BlockSpec((1, 1, M), lambda b, i: (b, 0, 0))
    out_spec = pl.BlockSpec((1, TI, 1), lambda b, i: (b * NT + i, 0, 0))
    src = pl.pallas_call(
        _compose_body,
        grid=(B, NT),
        in_specs=[row_spec] * 4,
        out_specs=out_spec,
        out_shape=jax.ShapeDtypeStruct((B * NT, TI, 1), jnp.int32),
    )(*rows)
    return src.reshape(B, M)


_MESH = plsc.VectorSubcoreMesh(core_axis_name="c", subcore_axis_name="s")


@functools.partial(
    pl.kernel,
    out_type=jax.ShapeDtypeStruct((B * M, TW), jnp.float32),
    mesh=_MESH,
    scratch_types=[
        pltpu.VMEM((CH,), jnp.int32),
        pltpu.VMEM((CH, TW), jnp.float32),
        pltpu.SemaphoreType.DMA,
    ],
)
def _sc_gather(tab, srcg, out, idx_v, buf, sem):
    wid = lax.axis_index("s") * 2 + lax.axis_index("c")
    for c in range(RPW // CH):
        base = wid * RPW + c * CH
        pltpu.sync_copy(srcg.at[pl.ds(base, CH)], idx_v)
        pltpu.async_copy(tab.at[idx_v], buf, sem).wait()
        pltpu.sync_copy(buf, out.at[pl.ds(base, CH)])


def kernel(k, v, m_k, m_v, m_u):
    s = jax.nn.softmax(jnp.einsum('bhd,bmd->bhm', k, m_k), axis=-1)
    max_s_hw = jnp.max(s, axis=-1)

    r2, ru, wv, pw = _ranks(max_s_hw, m_u)
    src = _compose(r2, ru, wv, pw)

    vpad = jnp.pad(v, ((0, 0), (0, 0), (0, VW - VDIM)))
    mvpad = jnp.pad(m_v, ((0, 0), (0, 0), (0, VW - VDIM)))
    tab = jnp.concatenate([
        jnp.concatenate([k.reshape(B * M, KDIM), vpad.reshape(B * M, VW)],
                        axis=1),
        jnp.concatenate([m_k.reshape(B * M, KDIM), mvpad.reshape(B * M, VW)],
                        axis=1),
    ], axis=0)

    out = _sc_gather(tab, src.reshape(B * M))
    m_k_new = out[:, :KDIM].reshape(B, M, KDIM)
    m_v_new = out[:, KDIM:KDIM + VDIM].reshape(B, M, VDIM)
    return (m_k_new, m_v_new)

# --- scband reference (transcript-rebuilt; emitter-appended) ---
"""Pipeline reference for scband-memory-41472204210735 (READ-ONLY COPY).

The authoritative reference and input builder live on the scoring server;
editing this copy changes nothing except your own understanding.
"""

import jax, jax.numpy as jnp
import numpy as np

B = 4
M = 4096
HW = 4096
KDIM = 256
VDIM = 3
DECAY = 0.99
THRESHOLD = 0.35 * 100 / M


def ragged_pack(x, mask):
    # Emulates tf.ragged.boolean_mask(x, mask).to_tensor(0., shape=[B, M, ...]):
    # selected rows packed to the front (original order preserved), zero-padded at end.
    Bm, Mm = mask.shape
    order = jnp.argsort(jnp.where(mask, 0, 1), axis=1)  # stable: True entries first
    idx = order.reshape(order.shape + (1,) * (x.ndim - 2))
    gathered = jnp.take_along_axis(x, idx, axis=1)
    count = jnp.sum(mask, axis=1)
    keep = jnp.arange(Mm)[None, :] < count[:, None]
    keep = keep.reshape(keep.shape + (1,) * (x.ndim - 2))
    return jnp.where(keep, gathered, jnp.zeros((), dtype=x.dtype))


def setup_inputs(seed: int = 0) -> dict:
    key = jax.random.key(seed)
    ks = jax.random.split(key, 5)
    k = jax.random.normal(ks[0], (B, HW, KDIM), dtype=jnp.float32)
    v = jax.random.normal(ks[1], (B, HW, VDIM), dtype=jnp.float32)
    m_k = jax.random.normal(ks[2], (B, M, KDIM), dtype=jnp.float32) * 0.02
    m_v = jax.random.normal(ks[3], (B, M, VDIM), dtype=jnp.float32) * 0.02
    m_u = jax.random.uniform(ks[4], (B, M), dtype=jnp.float32)
    return {"k": k, "v": v, "m_k": m_k, "m_v": m_v, "m_u": m_u}


def reference(k, v, m_k, m_v, m_u):
    # sort memory slots by usage (ascending)
    idx = jnp.argsort(m_u, axis=-1)
    m_u_sorted = jnp.take_along_axis(m_u, idx, axis=1)
    m_k_sorted = jnp.take_along_axis(m_k, idx[:, :, None], axis=1)
    m_v_sorted = jnp.take_along_axis(m_v, idx[:, :, None], axis=1)
    # addressing scores: softmax(k @ m_k^T)
    s = jax.nn.softmax(jnp.einsum('bhd,bmd->bhm', k, m_k), axis=-1)  # (B, HW, M)
    max_s_hw = jnp.max(s, axis=-1)  # (B, HW)
    max_s_m = jnp.max(s, axis=-2)   # (B, M)
    # sort queries by best match score, descending
    idx2 = jnp.argsort(-max_s_hw, axis=-1)
    wv_bool = max_s_hw < THRESHOLD  # (B, HW)
    all_ones = jnp.ones_like(max_s_m)
    k_sorted = jnp.take_along_axis(k, idx2[:, :, None], axis=1)
    v_sorted = jnp.take_along_axis(v, idx2[:, :, None], axis=1)
    k_sorted = jnp.reshape(k_sorted, (B, M, KDIM))
    v_sorted = jnp.reshape(v_sorted, (B, M, VDIM))
    write_ones = ragged_pack(all_ones, wv_bool)              # (B, M)
    write_k = ragged_pack(k_sorted, wv_bool)                  # (B, M, KDIM)
    write_v = ragged_pack(v_sorted, wv_bool)                  # (B, M, VDIM)
    m_u_new = (DECAY * m_u_sorted + max_s_m) * (1.0 - write_ones) + write_ones
    wo = write_ones[..., None]
    m_k_new = m_k_sorted * (1.0 - wo) + write_k
    m_v_new = m_v_sorted * (1.0 - wo) + write_v
    _ = m_u_new  # internal state update (not returned by the original call)
    return (m_k_new, m_v_new)

if __name__ == "__main__":
    import jax
    _d = setup_inputs()
    print(jax.jit(kernel)(*tuple(_d.values())))

</pallas_src>

<mosaic_0001>
#map = affine_map<(d0, d1) -> (0, 0)>
#map1 = affine_map<(d0, d1) -> (0)>
module attributes {stable_mosaic.version = 14 : i64} {
  func.func @_sc_gather(%arg0: i32, %arg1: i32, %arg2: memref<32768x384xf32, #tpu.memory_space<hbm>>, %arg3: memref<16384xi32, #tpu.memory_space<hbm>>, %arg4: memref<16384x384xf32, #tpu.memory_space<hbm>>, %arg5: memref<128xi32, #tpu.memory_space<vmem>>, %arg6: memref<128x384xf32, #tpu.memory_space<vmem>>, %arg7: memref<!tpu.dma_semaphore, #tpu.memory_space<semaphore_mem>>) attributes {dimension_semantics = [#tpu.dimension_semantics<core_parallel>, #tpu.dimension_semantics<subcore_parallel>], iteration_bounds = array<i64: 2, 16>, scalar_prefetch = 0 : i64, scratch_operands = 3 : i64, tpu.core_type = #tpu.core_type<sc_vector_subcore>, window_params = [{transform_indices = #map}, {transform_indices = #map1}, {transform_indices = #map}]} {
    %mul3A = arith.constant 2 : i32
    %mul3A_0 = arith.muli %arg1, %mul3A : i32
    %add3A = arith.addi %mul3A_0, %arg0 : i32
    %mul3A_1 = arith.constant 512 : i32
    %mul3A_2 = arith.muli %add3A, %mul3A_1 : i32
    %add3A_3 = arith.constant 0 : i32
    %add3A_4 = arith.addi %mul3A_2, %add3A_3 : i32
    "tpu.region"() ({
      %run_scoped3A = tpu.sem_alloc : memref<!tpu.dma_semaphore, #tpu.memory_space<semaphore_mem>>
      %dma_start3A_39 = tpu.memref_slice %arg3[%add3A_4] : memref<16384xi32, #tpu.memory_space<hbm>> -> memref<128xi32, #tpu.memory_space<hbm>>
      %dma_start3A_40 = tpu.memref_slice %arg3[%add3A_4] : memref<16384xi32, #tpu.memory_space<hbm>> -> memref<128xi32, #tpu.memory_space<hbm>>
      tpu.enqueue_dma source(%dma_start3A_40 : memref<128xi32, #tpu.memory_space<hbm>>) target(%arg5 : memref<128xi32, #tpu.memory_space<vmem>>) target_semaphore(%run_scoped3A : memref<!tpu.dma_semaphore, #tpu.memory_space<semaphore_mem>>)
      %dma_wait3A_41 = tpu.memref_slice %arg3[%add3A_4] : memref<16384xi32, #tpu.memory_space<hbm>> -> memref<128xi32, #tpu.memory_space<hbm>>
      %dma_wait3A_42 = tpu.memref_slice %arg3[%add3A_4] : memref<16384xi32, #tpu.memory_space<hbm>> -> memref<128xi32, #tpu.memory_space<hbm>>
      tpu.wait_dma2 semaphore(%run_scoped3A : memref<!tpu.dma_semaphore, #tpu.memory_space<semaphore_mem>>) src(%dma_wait3A_42 : memref<128xi32, #tpu.memory_space<hbm>>) dst(%arg5 : memref<128xi32, #tpu.memory_space<vmem>>)
      tpu.yield
    }) : () -> ()
    %dma_start3A = arith.constant 0 : i32
    %dma_start3A_5 = arith.constant 0 : i32
    %dma_start3A_6 = tpu.memref_slice %arg2[%dma_start3A, %dma_start3A_5] : memref<32768x384xf32, #tpu.memory_space<hbm>> -> memref<32768x384xf32, #tpu.memory_space<hbm>>
    tpu.enqueue_indirect_dma source(%dma_start3A_6 : memref<32768x384xf32, #tpu.memory_space<hbm>>) target(%arg6 : memref<128x384xf32, #tpu.memory_space<vmem>>) offsets(%arg5 : memref<128xi32, #tpu.memory_space<vmem>>) semaphore(%arg7 : memref<!tpu.dma_semaphore, #tpu.memory_space<semaphore_mem>>)
    %dma_wait3A = arith.constant 0 : i32
    %dma_wait3A_7 = arith.constant 0 : i32
    %dma_wait3A_8 = tpu.memref_slice %arg2[%dma_wait3A, %dma_wait3A_7] : memref<32768x384xf32, #tpu.memory_space<hbm>> -> memref<32768x384xf32, #tpu.memory_space<hbm>>
    tpu.wait_indirect_dma semaphore(%arg7 : memref<!tpu.dma_semaphore, #tpu.memory_space<semaphore_mem>>) src(%dma_wait3A_8 : memref<32768x384xf32, #tpu.memory_space<hbm>>) dst(%arg6 : memref<128x384xf32, #tpu.memory_space<vmem>>)
    "tpu.region"() ({
      %run_scoped3A = tpu.sem_alloc : memref<!tpu.dma_semaphore, #tpu.memory_space<semaphore_mem>>
      %dma_start3A_39 = arith.constant 0 : i32
      %dma_start3A_40 = tpu.memref_slice %arg4[%add3A_4, %dma_start3A_39] : memref<16384x384xf32, #tpu.memory_space<hbm>> -> memref<128x384xf32, #tpu.memory_space<hbm>>
      %dma_start3A_41 = arith.constant 0 : i32
      %dma_start3A_42 = tpu.memref_slice %arg4[%add3A_4, %dma_start3A_41] : memref<16384x384xf32, #tpu.memory_space<hbm>> -> memref<128x384xf32, #tpu.memory_space<hbm>>
      tpu.enqueue_dma source(%arg6 : memref<128x384xf32, #tpu.memory_space<vmem>>) target(%dma_start3A_42 : memref<128x384xf32, #tpu.memory_space<hbm>>) target_semaphore(%run_scoped3A : memref<!tpu.dma_semaphore, #tpu.memory_space<semaphore_mem>>)
      %dma_wait3A_43 = arith.constant 0 : i32
      %dma_wait3A_44 = tpu.memref_slice %arg4[%add3A_4, %dma_wait3A_43] : memref<16384x384xf32, #tpu.memory_space<hbm>> -> memref<128x384xf32, #tpu.memory_space<hbm>>
      %dma_wait3A_45 = arith.constant 0 : i32
      %dma_wait3A_46 = tpu.memref_slice %arg4[%add3A_4, %dma_wait3A_45] : memref<16384x384xf32, #tpu.memory_space<hbm>> -> memref<128x384xf32, #tpu.memory_space<hbm>>
      tpu.wait_dma2 semaphore(%run_scoped3A : memref<!tpu.dma_semaphore, #tpu.memory_space<semaphore_mem>>) src(%arg6 : memref<128x384xf32, #tpu.memory_space<vmem>>) dst(%dma_wait3A_46 : memref<128x384xf32, #tpu.memory_space<hbm>>)
      tpu.yield
    }) : () -> ()
    %mul3A_9 = arith.constant 512 : i32
    %mul3A_10 = arith.muli %add3A, %mul3A_9 : i32
    %add3A_11 = arith.constant 128 : i32
    %add3A_12 = arith.addi %mul3A_10, %add3A_11 : i32
    "tpu.region"() ({
      %run_scoped3A = tpu.sem_alloc : memref<!tpu.dma_semaphore, #tpu.memory_space<semaphore_mem>>
      %dma_start3A_39 = tpu.memref_slice %arg3[%add3A_12] : memref<16384xi32, #tpu.memory_space<hbm>> -> memref<128xi32, #tpu.memory_space<hbm>>
      %dma_start3A_40 = tpu.memref_slice %arg3[%add3A_12] : memref<16384xi32, #tpu.memory_space<hbm>> -> memref<128xi32, #tpu.memory_space<hbm>>
      tpu.enqueue_dma source(%dma_start3A_40 : memref<128xi32, #tpu.memory_space<hbm>>) target(%arg5 : memref<128xi32, #tpu.memory_space<vmem>>) target_semaphore(%run_scoped3A : memref<!tpu.dma_semaphore, #tpu.memory_space<semaphore_mem>>)
      %dma_wait3A_41 = tpu.memref_slice %arg3[%add3A_12] : memref<16384xi32, #tpu.memory_space<hbm>> -> memref<128xi32, #tpu.memory_space<hbm>>
      %dma_wait3A_42 = tpu.memref_slice %arg3[%add3A_12] : memref<16384xi32, #tpu.memory_space<hbm>> -> memref<128xi32, #tpu.memory_space<hbm>>
      tpu.wait_dma2 semaphore(%run_scoped3A : memref<!tpu.dma_semaphore, #tpu.memory_space<semaphore_mem>>) src(%dma_wait3A_42 : memref<128xi32, #tpu.memory_space<hbm>>) dst(%arg5 : memref<128xi32, #tpu.memory_space<vmem>>)
      tpu.yield
    }) : () -> ()
    %dma_start3A_13 = arith.constant 0 : i32
    %dma_start3A_14 = arith.constant 0 : i32
    %dma_start3A_15 = tpu.memref_slice %arg2[%dma_start3A_13, %dma_start3A_14] : memref<32768x384xf32, #tpu.memory_space<hbm>> -> memref<32768x384xf32, #tpu.memory_space<hbm>>
    tpu.enqueue_indirect_dma source(%dma_start3A_15 : memref<32768x384xf32, #tpu.memory_space<hbm>>) target(%arg6 : memref<128x384xf32, #tpu.memory_space<vmem>>) offsets(%arg5 : memref<128xi32, #tpu.memory_space<vmem>>) semaphore(%arg7 : memref<!tpu.dma_semaphore, #tpu.memory_space<semaphore_mem>>)
    %dma_wait3A_16 = arith.constant 0 : i32
    %dma_wait3A_17 = arith.constant 0 : i32
    %dma_wait3A_18 = tpu.memref_slice %arg2[%dma_wait3A_16, %dma_wait3A_17] : memref<32768x384xf32, #tpu.memory_space<hbm>> -> memref<32768x384xf32, #tpu.memory_space<hbm>>
    tpu.wait_indirect_dma semaphore(%arg7 : memref<!tpu.dma_semaphore, #tpu.memory_space<semaphore_mem>>) src(%dma_wait3A_18 : memref<32768x384xf32, #tpu.memory_space<hbm>>) dst(%arg6 : memref<128x384xf32, #tpu.memory_space<vmem>>)
    "tpu.region"() ({
      %run_scoped3A = tpu.sem_alloc : memref<!tpu.dma_semaphore, #tpu.memory_space<semaphore_mem>>
      %dma_start3A_39 = arith.constant 0 : i32
      %dma_start3A_40 = tpu.memref_slice %arg4[%add3A_12, %dma_start3A_39] : memref<16384x384xf32, #tpu.memory_space<hbm>> -> memref<128x384xf32, #tpu.memory_space<hbm>>
      %dma_start3A_41 = arith.constant 0 : i32
      %dma_start3A_42 = tpu.memref_slice %arg4[%add3A_12, %dma_start3A_41] : memref<16384x384xf32, #tpu.memory_space<hbm>> -> memref<128x384xf32, #tpu.memory_space<hbm>>
      tpu.enqueue_dma source(%arg6 : memref<128x384xf32, #tpu.memory_space<vmem>>) target(%dma_start3A_42 : memref<128x384xf32, #tpu.memory_space<hbm>>) target_semaphore(%run_scoped3A : memref<!tpu.dma_semaphore, #tpu.memory_space<semaphore_mem>>)
      %dma_wait3A_43 = arith.constant 0 : i32
      %dma_wait3A_44 = tpu.memref_slice %arg4[%add3A_12, %dma_wait3A_43] : memref<16384x384xf32, #tpu.memory_space<hbm>> -> memref<128x384xf32, #tpu.memory_space<hbm>>
      %dma_wait3A_45 = arith.constant 0 : i32
      %dma_wait3A_46 = tpu.memref_slice %arg4[%add3A_12, %dma_wait3A_45] : memref<16384x384xf32, #tpu.memory_space<hbm>> -> memref<128x384xf32, #tpu.memory_space<hbm>>
      tpu.wait_dma2 semaphore(%run_scoped3A : memref<!tpu.dma_semaphore, #tpu.memory_space<semaphore_mem>>) src(%arg6 : memref<128x384xf32, #tpu.memory_space<vmem>>) dst(%dma_wait3A_46 : memref<128x384xf32, #tpu.memory_space<hbm>>)
      tpu.yield
    }) : () -> ()
    %mul3A_19 = arith.constant 512 : i32
    %mul3A_20 = arith.muli %add3A, %mul3A_19 : i32
    %add3A_21 = arith.constant 256 : i32
    %add3A_22 = arith.addi %mul3A_20, %add3A_21 : i32
    "tpu.region"() ({
      %run_scoped3A = tpu.sem_alloc : memref<!tpu.dma_semaphore, #tpu.memory_space<semaphore_mem>>
      %dma_start3A_39 = tpu.memref_slice %arg3[%add3A_22] : memref<16384xi32, #tpu.memory_space<hbm>> -> memref<128xi32, #tpu.memory_space<hbm>>
      %dma_start3A_40 = tpu.memref_slice %arg3[%add3A_22] : memref<16384xi32, #tpu.memory_space<hbm>> -> memref<128xi32, #tpu.memory_space<hbm>>
      tpu.enqueue_dma source(%dma_start3A_40 : memref<128xi32, #tpu.memory_space<hbm>>) target(%arg5 : memref<128xi32, #tpu.memory_space<vmem>>) target_semaphore(%run_scoped3A : memref<!tpu.dma_semaphore, #tpu.memory_space<semaphore_mem>>)
      %dma_wait3A_41 = tpu.memref_slice %arg3[%add3A_22] : memref<16384xi32, #tpu.memory_space<hbm>> -> memref<128xi32, #tpu.memory_space<hbm>>
      %dma_wait3A_42 = tpu.memref_slice %arg3[%add3A_22] : memref<16384xi32, #tpu.memory_space<hbm>> -> memref<128xi32, #tpu.memory_space<hbm>>
      tpu.wait_dma2 semaphore(%run_scoped3A : memref<!tpu.dma_semaphore, #tpu.memory_space<semaphore_mem>>) src(%dma_wait3A_42 : memref<128xi32, #tpu.memory_space<hbm>>) dst(%arg5 : memref<128xi32, #tpu.memory_space<vmem>>)
      tpu.yield
    }) : () -> ()
    %dma_start3A_23 = arith.constant 0 : i32
    %dma_start3A_24 = arith.constant 0 : i32
    %dma_start3A_25 = tpu.memref_slice %arg2[%dma_start3A_23, %dma_start3A_24] : memref<32768x384xf32, #tpu.memory_space<hbm>> -> memref<32768x384xf32, #tpu.memory_space<hbm>>
    tpu.enqueue_indirect_dma source(%dma_start3A_25 : memref<32768x384xf32, #tpu.memory_space<hbm>>) target(%arg6 : memref<128x384xf32, #tpu.memory_space<vmem>>) offsets(%arg5 : memref<128xi32, #tpu.memory_space<vmem>>) semaphore(%arg7 : memref<!tpu.dma_semaphore, #tpu.memory_space<semaphore_mem>>)
    %dma_wait3A_26 = arith.constant 0 : i32
    %dma_wait3A_27 = arith.constant 0 : i32
    %dma_wait3A_28 = tpu.memref_slice %arg2[%dma_wait3A_26, %dma_wait3A_27] : memref<32768x384xf32, #tpu.memory_space<hbm>> -> memref<32768x384xf32, #tpu.memory_space<hbm>>
    tpu.wait_indirect_dma semaphore(%arg7 : memref<!tpu.dma_semaphore, #tpu.memory_space<semaphore_mem>>) src(%dma_wait3A_28 : memref<32768x384xf32, #tpu.memory_space<hbm>>) dst(%arg6 : memref<128x384xf32, #tpu.memory_space<vmem>>)
    "tpu.region"() ({
      %run_scoped3A = tpu.sem_alloc : memref<!tpu.dma_semaphore, #tpu.memory_space<semaphore_mem>>
      %dma_start3A_39 = arith.constant 0 : i32
      %dma_start3A_40 = tpu.memref_slice %arg4[%add3A_22, %dma_start3A_39] : memref<16384x384xf32, #tpu.memory_space<hbm>> -> memref<128x384xf32, #tpu.memory_space<hbm>>
      %dma_start3A_41 = arith.constant 0 : i32
      %dma_start3A_42 = tpu.memref_slice %arg4[%add3A_22, %dma_start3A_41] : memref<16384x384xf32, #tpu.memory_space<hbm>> -> memref<128x384xf32, #tpu.memory_space<hbm>>
      tpu.enqueue_dma source(%arg6 : memref<128x384xf32, #tpu.memory_space<vmem>>) target(%dma_start3A_42 : memref<128x384xf32, #tpu.memory_space<hbm>>) target_semaphore(%run_scoped3A : memref<!tpu.dma_semaphore, #tpu.memory_space<semaphore_mem>>)
      %dma_wait3A_43 = arith.constant 0 : i32
      %dma_wait3A_44 = tpu.memref_slice %arg4[%add3A_22, %dma_wait3A_43] : memref<16384x384xf32, #tpu.memory_space<hbm>> -> memref<128x384xf32, #tpu.memory_space<hbm>>
      %dma_wait3A_45 = arith.constant 0 : i32
      %dma_wait3A_46 = tpu.memref_slice %arg4[%add3A_22, %dma_wait3A_45] : memref<16384x384xf32, #tpu.memory_space<hbm>> -> memref<128x384xf32, #tpu.memory_space<hbm>>
      tpu.wait_dma2 semaphore(%run_scoped3A : memref<!tpu.dma_semaphore, #tpu.memory_space<semaphore_mem>>) src(%arg6 : memref<128x384xf32, #tpu.memory_space<vmem>>) dst(%dma_wait3A_46 : memref<128x384xf32, #tpu.memory_space<hbm>>)
      tpu.yield
    }) : () -> ()
    %mul3A_29 = arith.constant 512 : i32
    %mul3A_30 = arith.muli %add3A, %mul3A_29 : i32
    %add3A_31 = arith.constant 384 : i32
    %add3A_32 = arith.addi %mul3A_30, %add3A_31 : i32
    "tpu.region"() ({
      %run_scoped3A = tpu.sem_alloc : memref<!tpu.dma_semaphore, #tpu.memory_space<semaphore_mem>>
      %dma_start3A_39 = tpu.memref_slice %arg3[%add3A_32] : memref<16384xi32, #tpu.memory_space<hbm>> -> memref<128xi32, #tpu.memory_space<hbm>>
      %dma_start3A_40 = tpu.memref_slice %arg3[%add3A_32] : memref<16384xi32, #tpu.memory_space<hbm>> -> memref<128xi32, #tpu.memory_space<hbm>>
      tpu.enqueue_dma source(%dma_start3A_40 : memref<128xi32, #tpu.memory_space<hbm>>) target(%arg5 : memref<128xi32, #tpu.memory_space<vmem>>) target_semaphore(%run_scoped3A : memref<!tpu.dma_semaphore, #tpu.memory_space<semaphore_mem>>)
      %dma_wait3A_41 = tpu.memref_slice %arg3[%add3A_32] : memref<16384xi32, #tpu.memory_space<hbm>> -> memref<128xi32, #tpu.memory_space<hbm>>
      %dma_wait3A_42 = tpu.memref_slice %arg3[%add3A_32] : memref<16384xi32, #tpu.memory_space<hbm>> -> memref<128xi32, #tpu.memory_space<hbm>>
      tpu.wait_dma2 semaphore(%run_scoped3A : memref<!tpu.dma_semaphore, #tpu.memory_space<semaphore_mem>>) src(%dma_wait3A_42 : memref<128xi32, #tpu.memory_space<hbm>>) dst(%arg5 : memref<128xi32, #tpu.memory_space<vmem>>)
      tpu.yield
    }) : () -> ()
    %dma_start3A_33 = arith.constant 0 : i32
    %dma_start3A_34 = arith.constant 0 : i32
    %dma_start3A_35 = tpu.memref_slice %arg2[%dma_start3A_33, %dma_start3A_34] : memref<32768x384xf32, #tpu.memory_space<hbm>> -> memref<32768x384xf32, #tpu.memory_space<hbm>>
    tpu.enqueue_indirect_dma source(%dma_start3A_35 : memref<32768x384xf32, #tpu.memory_space<hbm>>) target(%arg6 : memref<128x384xf32, #tpu.memory_space<vmem>>) offsets(%arg5 : memref<128xi32, #tpu.memory_space<vmem>>) semaphore(%arg7 : memref<!tpu.dma_semaphore, #tpu.memory_space<semaphore_mem>>)
    %dma_wait3A_36 = arith.constant 0 : i32
    %dma_wait3A_37 = arith.constant 0 : i32
    %dma_wait3A_38 = tpu.memref_slice %arg2[%dma_wait3A_36, %dma_wait3A_37] : memref<32768x384xf32, #tpu.memory_space<hbm>> -> memref<32768x384xf32, #tpu.memory_space<hbm>>
    tpu.wait_indirect_dma semaphore(%arg7 : memref<!tpu.dma_semaphore, #tpu.memory_space<semaphore_mem>>) src(%dma_wait3A_38 : memref<32768x384xf32, #tpu.memory_space<hbm>>) dst(%arg6 : memref<128x384xf32, #tpu.memory_space<vmem>>)
    "tpu.region"() ({
      %run_scoped3A = tpu.sem_alloc : memref<!tpu.dma_semaphore, #tpu.memory_space<semaphore_mem>>
      %dma_start3A_39 = arith.constant 0 : i32
      %dma_start3A_40 = tpu.memref_slice %arg4[%add3A_32, %dma_start3A_39] : memref<16384x384xf32, #tpu.memory_space<hbm>> -> memref<128x384xf32, #tpu.memory_space<hbm>>
      %dma_start3A_41 = arith.constant 0 : i32
      %dma_start3A_42 = tpu.memref_slice %arg4[%add3A_32, %dma_start3A_41] : memref<16384x384xf32, #tpu.memory_space<hbm>> -> memref<128x384xf32, #tpu.memory_space<hbm>>
      tpu.enqueue_dma source(%arg6 : memref<128x384xf32, #tpu.memory_space<vmem>>) target(%dma_start3A_42 : memref<128x384xf32, #tpu.memory_space<hbm>>) target_semaphore(%run_scoped3A : memref<!tpu.dma_semaphore, #tpu.memory_space<semaphore_mem>>)
      %dma_wait3A_43 = arith.constant 0 : i32
      %dma_wait3A_44 = tpu.memref_slice %arg4[%add3A_32, %dma_wait3A_43] : memref<16384x384xf32, #tpu.memory_space<hbm>> -> memref<128x384xf32, #tpu.memory_space<hbm>>
      %dma_wait3A_45 = arith.constant 0 : i32
      %dma_wait3A_46 = tpu.memref_slice %arg4[%add3A_32, %dma_wait3A_45] : memref<16384x384xf32, #tpu.memory_space<hbm>> -> memref<128x384xf32, #tpu.memory_space<hbm>>
      tpu.wait_dma2 semaphore(%run_scoped3A : memref<!tpu.dma_semaphore, #tpu.memory_space<semaphore_mem>>) src(%arg6 : memref<128x384xf32, #tpu.memory_space<vmem>>) dst(%dma_wait3A_46 : memref<128x384xf32, #tpu.memory_space<hbm>>)
      tpu.yield
    }) : () -> ()
    return
  }
}

module attributes {stable_mosaic.version = 14 : i64} {
  func.func @_rank_body(%arg0: i32, %arg1: i32, %arg2: memref<1x512x1xf32, #tpu.memory_space<vmem>>, %arg3: memref<1x1x4096xf32, #tpu.memory_space<vmem>>, %arg4: memref<1x512x1xf32, #tpu.memory_space<vmem>>, %arg5: memref<1x1x4096xf32, #tpu.memory_space<vmem>>, %arg6: memref<1x512x1xi32, #tpu.memory_space<vmem>>, %arg7: memref<1x512x1xi32, #tpu.memory_space<vmem>>, %arg8: memref<1x512x1xi32, #tpu.memory_space<vmem>>, %arg9: memref<1x512x1xi32, #tpu.memory_space<vmem>>) attributes {dimension_semantics = [#tpu.dimension_semantics<arbitrary>, #tpu.dimension_semantics<arbitrary>], iteration_bounds = array<i64: 4, 8>, scalar_prefetch = 0 : i64, scratch_operands = 0 : i64, tpu.core_type = #tpu.core_type<tc>, window_params = [{transform_indices = @transform_0, window_bounds = array<i64: 1, 512, 1>}, {transform_indices = @transform_1, window_bounds = array<i64: 1, 1, 4096>}, {transform_indices = @transform_2, window_bounds = array<i64: 1, 512, 1>}, {transform_indices = @transform_3, window_bounds = array<i64: 1, 1, 4096>}, {transform_indices = @transform_4, window_bounds = array<i64: 1, 512, 1>}, {transform_indices = @transform_5, window_bounds = array<i64: 1, 512, 1>}, {transform_indices = @transform_6, window_bounds = array<i64: 1, 512, 1>}, {transform_indices = @transform_7, window_bounds = array<i64: 1, 512, 1>}]} {
    %get3A = arith.constant 0 : index
    %get3A_0 = arith.constant 0 : index
    %get3A_1 = arith.constant 0 : index
    %get3A_2 = vector.load %arg2[%get3A, %get3A_0, %get3A_1] : memref<1x512x1xf32, #tpu.memory_space<vmem>>, vector<1x512x1xf32>
    %get3A_3 = vector.shape_cast %get3A_2 : vector<1x512x1xf32> to vector<512x1xf32>
    %get3A_4 = arith.constant 0 : index
    %get3A_5 = arith.constant 0 : index
    %get3A_6 = arith.constant 0 : index
    %get3A_7 = vector.load %arg3[%get3A_4, %get3A_5, %get3A_6] : memref<1x1x4096xf32, #tpu.memory_space<vmem>>, vector<1x1x4096xf32>
    %get3A_8 = vector.shape_cast %get3A_7 : vector<1x1x4096xf32> to vector<1x4096xf32>
    %bitcast_convert_type3A = tpu.bitcast %get3A_3 : vector<512x1xf32> -> vector<512x1xi32>
    %sub3A = arith.constant 536870912 : i32
    %sub3A_9 = vector.broadcast %sub3A : i32 to vector<512x1xi32>
    %sub3A_10 = arith.subi %bitcast_convert_type3A, %sub3A_9 : vector<512x1xi32>
    %mul3A = arith.constant 2 : i32
    %mul3A_11 = vector.broadcast %mul3A : i32 to vector<512x1xi32>
    %mul3A_12 = arith.muli %mul3A_11, %sub3A_10 : vector<512x1xi32>
    %bitcast_convert_type3A_13 = tpu.bitcast %get3A_8 : vector<1x4096xf32> -> vector<1x4096xi32>
    %sub3A_14 = arith.constant 536870912 : i32
    %sub3A_15 = vector.broadcast %sub3A_14 : i32 to vector<1x4096xi32>
    %sub3A_16 = arith.subi %bitcast_convert_type3A_13, %sub3A_15 : vector<1x4096xi32>
    %mul3A_17 = arith.constant 2 : i32
    %mul3A_18 = vector.broadcast %mul3A_17 : i32 to vector<1x4096xi32>
    %mul3A_19 = arith.muli %mul3A_18, %sub3A_16 : vector<1x4096xi32>
    %get3A_20 = arith.constant 0 : index
    %get3A_21 = arith.constant 0 : index
    %get3A_22 = arith.constant 0 : index
    %get3A_23 = vector.load %arg4[%get3A_20, %get3A_21, %get3A_22] : memref<1x512x1xf32, #tpu.memory_space<vmem>>, vector<1x512x1xf32>
    %get3A_24 = vector.shape_cast %get3A_23 : vector<1x512x1xf32> to vector<512x1xf32>
    %bitcast_convert_type3A_25 = tpu.bitcast %get3A_24 : vector<512x1xf32> -> vector<512x1xi32>
    %sub3A_26 = arith.constant 536870912 : i32
    %sub3A_27 = vector.broadcast %sub3A_26 : i32 to vector<512x1xi32>
    %sub3A_28 = arith.subi %bitcast_convert_type3A_25, %sub3A_27 : vector<512x1xi32>
    %mul3A_29 = arith.constant 2 : i32
    %mul3A_30 = vector.broadcast %mul3A_29 : i32 to vector<512x1xi32>
    %mul3A_31 = arith.muli %mul3A_30, %sub3A_28 : vector<512x1xi32>
    %get3A_32 = arith.constant 0 : index
    %get3A_33 = arith.constant 0 : index
    %get3A_34 = arith.constant 0 : index
    %get3A_35 = vector.load %arg5[%get3A_32, %get3A_33, %get3A_34] : memref<1x1x4096xf32, #tpu.memory_space<vmem>>, vector<1x1x4096xf32>
    %get3A_36 = vector.shape_cast %get3A_35 : vector<1x1x4096xf32> to vector<1x4096xf32>
    %bitcast_convert_type3A_37 = tpu.bitcast %get3A_36 : vector<1x4096xf32> -> vector<1x4096xi32>
    %sub3A_38 = arith.constant 536870912 : i32
    %sub3A_39 = vector.broadcast %sub3A_38 : i32 to vector<1x4096xi32>
    %sub3A_40 = arith.subi %bitcast_convert_type3A_37, %sub3A_39 : vector<1x4096xi32>
    %mul3A_41 = arith.constant 2 : i32
    %mul3A_42 = vector.broadcast %mul3A_41 : i32 to vector<1x4096xi32>
    %mul3A_43 = arith.muli %mul3A_42, %sub3A_40 : vector<1x4096xi32>
    %iota3A = tpu.iota {dimensions = array<i32: 0>} : vector<512x4096xi32>
    %mul3A_44 = arith.constant 512 : i32
    %mul3A_45 = arith.muli %arg1, %mul3A_44 : i32
    %add3A = vector.broadcast %mul3A_45 : i32 to vector<512x4096xi32>
    %add3A_46 = arith.addi %iota3A, %add3A : vector<512x4096xi32>
    %iota3A_47 = tpu.iota {dimensions = array<i32: 1>} : vector<512x4096xi32>
    %lt3A = arith.cmpi slt, %iota3A_47, %add3A_46 : vector<512x4096xi32>
    %convert_element_type3A = arith.extui %lt3A : vector<512x4096xi1> to vector<512x4096xi32>
    %add3A_48 = vector.broadcast %mul3A_19 : vector<1x4096xi32> to vector<512x4096xi32>
    %add3A_49 = arith.addi %add3A_48, %convert_element_type3A : vector<512x4096xi32>
    %gt3A = vector.broadcast %mul3A_12 : vector<512x1xi32> to vector<512x4096xi32>
    %gt3A_50 = arith.cmpi sgt, %add3A_49, %gt3A : vector<512x4096xi32>
    %convert_element_type3A_51 = arith.extui %gt3A_50 : vector<512x4096xi1> to vector<512x4096xi32>
    %convert_element_type3A_52 = arith.sitofp %convert_element_type3A_51 : vector<512x4096xi32> to vector<512x4096xf32>
    %reduce_sum3A = arith.constant dense<0.000000e+00> : vector<512xf32>
    %reduce_sum3A_53 = vector.multi_reduction <add>, %convert_element_type3A_52, %reduce_sum3A [1] : vector<512x4096xf32> to vector<512xf32>
    %broadcast_in_dim3A = vector.shape_cast %reduce_sum3A_53 : vector<512xf32> to vector<512x1xf32>
    %convert_element_type3A_54 = arith.fptosi %broadcast_in_dim3A : vector<512x1xf32> to vector<512x1xi32>
    %swap3A = arith.constant 0 : index
    %swap3A_55 = arith.constant 0 : index
    %swap3A_56 = arith.constant 0 : index
    %swap3A_57 = vector.load %arg6[%swap3A, %swap3A_55, %swap3A_56] : memref<1x512x1xi32, #tpu.memory_space<vmem>>, vector<1x512x1xi32>
    %swap3A_58 = vector.shape_cast %swap3A_57 : vector<1x512x1xi32> to vector<512x1xi32>
    %swap3A_59 = vector.shape_cast %convert_element_type3A_54 : vector<512x1xi32> to vector<1x512x1xi32>
    tpu.vector_store %arg6[%swap3A, %swap3A_55, %swap3A_56], %swap3A_59 {strides = array<i32>} : memref<1x512x1xi32, #tpu.memory_space<vmem>>, vector<1x512x1xi32>,
    %add3A_60 = vector.broadcast %mul3A_31 : vector<512x1xi32> to vector<512x4096xi32>
    %add3A_61 = arith.addi %add3A_60, %convert_element_type3A : vector<512x4096xi32>
    %lt3A_62 = vector.broadcast %mul3A_43 : vector<1x4096xi32> to vector<512x4096xi32>
    %lt3A_63 = arith.cmpi slt, %lt3A_62, %add3A_61 : vector<512x4096xi32>
    %convert_element_type3A_64 = arith.extui %lt3A_63 : vector<512x4096xi1> to vector<512x4096xi32>
    %convert_element_type3A_65 = arith.sitofp %convert_element_type3A_64 : vector<512x4096xi32> to vector<512x4096xf32>
    %reduce_sum3A_66 = arith.constant dense<0.000000e+00> : vector<512xf32>
    %reduce_sum3A_67 = vector.multi_reduction <add>, %convert_element_type3A_65, %reduce_sum3A_66 [1] : vector<512x4096xf32> to vector<512xf32>
    %broadcast_in_dim3A_68 = vector.shape_cast %reduce_sum3A_67 : vector<512xf32> to vector<512x1xf32>
    %convert_element_type3A_69 = arith.fptosi %broadcast_in_dim3A_68 : vector<512x1xf32> to vector<512x1xi32>
    %swap3A_70 = arith.constant 0 : index
    %swap3A_71 = arith.constant 0 : index
    %swap3A_72 = arith.constant 0 : index
    %swap3A_73 = vector.load %arg7[%swap3A_70, %swap3A_71, %swap3A_72] : memref<1x512x1xi32, #tpu.memory_space<vmem>>, vector<1x512x1xi32>
    %swap3A_74 = vector.shape_cast %swap3A_73 : vector<1x512x1xi32> to vector<512x1xi32>
    %swap3A_75 = vector.shape_cast %convert_element_type3A_69 : vector<512x1xi32> to vector<1x512x1xi32>
    tpu.vector_store %arg7[%swap3A_70, %swap3A_71, %swap3A_72], %swap3A_75 {strides = array<i32>} : memref<1x512x1xi32, #tpu.memory_space<vmem>>, vector<1x512x1xi32>,
    %lt3A_76 = arith.constant 0.00854492188 : f32
    %lt3A_77 = vector.broadcast %lt3A_76 : f32 to vector<512x1xf32>
    %lt3A_78 = arith.cmpf olt, %get3A_3, %lt3A_77 : vector<512x1xf32>
    %convert_element_type3A_79 = arith.extui %lt3A_78 : vector<512x1xi1> to vector<512x1xi32>
    %swap3A_80 = arith.constant 0 : index
    %swap3A_81 = arith.constant 0 : index
    %swap3A_82 = arith.constant 0 : index
    %swap3A_83 = vector.load %arg8[%swap3A_80, %swap3A_81, %swap3A_82] : memref<1x512x1xi32, #tpu.memory_space<vmem>>, vector<1x512x1xi32>
    %swap3A_84 = vector.shape_cast %swap3A_83 : vector<1x512x1xi32> to vector<512x1xi32>
    %swap3A_85 = vector.shape_cast %convert_element_type3A_79 : vector<512x1xi32> to vector<1x512x1xi32>
    tpu.vector_store %arg8[%swap3A_80, %swap3A_81, %swap3A_82], %swap3A_85 {strides = array<i32>} : memref<1x512x1xi32, #tpu.memory_space<vmem>>, vector<1x512x1xi32>,
    %lt3A_86 = arith.constant 0.00854492188 : f32
    %lt3A_87 = vector.broadcast %lt3A_86 : f32 to vector<1x4096xf32>
    %lt3A_88 = arith.cmpf olt, %get3A_8, %lt3A_87 : vector<1x4096xf32>
    %eq3A = arith.constant 1 : i32
    %eq3A_89 = vector.broadcast %eq3A : i32 to vector<512x4096xi32>
    %eq3A_90 = arith.cmpi eq, %convert_element_type3A, %eq3A_89 : vector<512x4096xi32>
    %and3A = vector.broadcast %lt3A_88 : vector<1x4096xi1> to vector<512x4096xi1>
    %and3A_91 = arith.andi %and3A, %eq3A_90 : vector<512x4096xi1>
    %convert_element_type3A_92 = arith.extui %and3A_91 : vector<512x4096xi1> to vector<512x4096xi32>
    %convert_element_type3A_93 = arith.sitofp %convert_element_type3A_92 : vector<512x4096xi32> to vector<512x4096xf32>
    %reduce_sum3A_94 = arith.constant dense<0.000000e+00> : vector<512xf32>
    %reduce_sum3A_95 = vector.multi_reduction <add>, %convert_element_type3A_93, %reduce_sum3A_94 [1] : vector<512x4096xf32> to vector<512xf32>
    %broadcast_in_dim3A_96 = vector.shape_cast %reduce_sum3A_95 : vector<512xf32> to vector<512x1xf32>
    %convert_element_type3A_97 = arith.fptosi %broadcast_in_dim3A_96 : vector<512x1xf32> to vector<512x1xi32>
    %swap3A_98 = arith.constant 0 : index
    %swap3A_99 = arith.constant 0 : index
    %swap3A_100 = arith.constant 0 : index
    %swap3A_101 = vector.load %arg9[%swap3A_98, %swap3A_99, %swap3A_100] : memref<1x512x1xi32, #tpu.memory_space<vmem>>, vector<1x512x1xi32>
    %swap3A_102 = vector.shape_cast %swap3A_101 : vector<1x512x1xi32> to vector<512x1xi32>
    %swap3A_103 = vector.shape_cast %convert_element_type3A_97 : vector<512x1xi32> to vector<1x512x1xi32>
    tpu.vector_store %arg9[%swap3A_98, %swap3A_99, %swap3A_100], %swap3A_103 {strides = array<i32>} : memref<1x512x1xi32, #tpu.memory_space<vmem>>, vector<1x512x1xi32>,
    return
  }
  func.func @transform_0(%arg0: i32, %arg1: i32) -> (i32, i32, i32) {
    %mul3A = arith.constant 8 : i32
    %mul3A_0 = arith.muli %arg0, %mul3A : i32
    %add3A = arith.addi %mul3A_0, %arg1 : i32
    %c0_i32 = arith.constant 0 : i32
    %c0_i32_1 = arith.constant 0 : i32
    %c0_i32_2 = arith.constant 0 : i32
    return %add3A, %c0_i32, %c0_i32_1 : i32, i32, i32
  }
  func.func @transform_1(%arg0: i32, %arg1: i32) -> (i32, i32, i32) {
    %c0_i32 = arith.constant 0 : i32
    %c0_i32_0 = arith.constant 0 : i32
    %c0_i32_1 = arith.constant 0 : i32
    return %arg0, %c0_i32, %c0_i32_0 : i32, i32, i32
  }
  func.func @transform_2(%arg0: i32, %arg1: i32) -> (i32, i32, i32) {
    %mul3A = arith.constant 8 : i32
    %mul3A_0 = arith.muli %arg0, %mul3A : i32
    %add3A = arith.addi %mul3A_0, %arg1 : i32
    %c0_i32 = arith.constant 0 : i32
    %c0_i32_1 = arith.constant 0 : i32
    %c0_i32_2 = arith.constant 0 : i32
    return %add3A, %c0_i32, %c0_i32_1 : i32, i32, i32
  }
  func.func @transform_3(%arg0: i32, %arg1: i32) -> (i32, i32, i32) {
    %c0_i32 = arith.constant 0 : i32
    %c0_i32_0 = arith.constant 0 : i32
    %c0_i32_1 = arith.constant 0 : i32
    return %arg0, %c0_i32, %c0_i32_0 : i32, i32, i32
  }
  func.func @transform_4(%arg0: i32, %arg1: i32) -> (i32, i32, i32) {
    %mul3A = arith.constant 8 : i32
    %mul3A_0 = arith.muli %arg0, %mul3A : i32
    %add3A = arith.addi %mul3A_0, %arg1 : i32
    %c0_i32 = arith.constant 0 : i32
    %c0_i32_1 = arith.constant 0 : i32
    %c0_i32_2 = arith.constant 0 : i32
    return %add3A, %c0_i32, %c0_i32_1 : i32, i32, i32
  }
  func.func @transform_5(%arg0: i32, %arg1: i32) -> (i32, i32, i32) {
    %mul3A = arith.constant 8 : i32
    %mul3A_0 = arith.muli %arg0, %mul3A : i32
    %add3A = arith.addi %mul3A_0, %arg1 : i32
    %c0_i32 = arith.constant 0 : i32
    %c0_i32_1 = arith.constant 0 : i32
    %c0_i32_2 = arith.constant 0 : i32
    return %add3A, %c0_i32, %c0_i32_1 : i32, i32, i32
  }
  func.func @transform_6(%arg0: i32, %arg1: i32) -> (i32, i32, i32) {
    %mul3A = arith.constant 8 : i32
    %mul3A_0 = arith.muli %arg0, %mul3A : i32
    %add3A = arith.addi %mul3A_0, %arg1 : i32
    %c0_i32 = arith.constant 0 : i32
    %c0_i32_1 = arith.constant 0 : i32
    %c0_i32_2 = arith.constant 0 : i32
    return %add3A, %c0_i32, %c0_i32_1 : i32, i32, i32
  }
  func.func @transform_7(%arg0: i32, %arg1: i32) -> (i32, i32, i32) {
    %mul3A = arith.constant 8 : i32
    %mul3A_0 = arith.muli %arg0, %mul3A : i32
    %add3A = arith.addi %mul3A_0, %arg1 : i32
    %c0_i32 = arith.constant 0 : i32
    %c0_i32_1 = arith.constant 0 : i32
    %c0_i32_2 = arith.constant 0 : i32
    return %add3A, %c0_i32, %c0_i32_1 : i32, i32, i32
  }
}

module attributes {stable_mosaic.version = 14 : i64} {
  func.func @_compose_body(%arg0: i32, %arg1: i32, %arg2: memref<1x1x4096xi32, #tpu.memory_space<vmem>>, %arg3: memref<1x1x4096xi32, #tpu.memory_space<vmem>>, %arg4: memref<1x1x4096xi32, #tpu.memory_space<vmem>>, %arg5: memref<1x1x4096xi32, #tpu.memory_space<vmem>>, %arg6: memref<1x512x1xi32, #tpu.memory_space<vmem>>) attributes {dimension_semantics = [#tpu.dimension_semantics<arbitrary>, #tpu.dimension_semantics<arbitrary>], iteration_bounds = array<i64: 4, 8>, scalar_prefetch = 0 : i64, scratch_operands = 0 : i64, tpu.core_type = #tpu.core_type<tc>, window_params = [{transform_indices = @transform_0, window_bounds = array<i64: 1, 1, 4096>}, {transform_indices = @transform_1, window_bounds = array<i64: 1, 1, 4096>}, {transform_indices = @transform_2, window_bounds = array<i64: 1, 1, 4096>}, {transform_indices = @transform_3, window_bounds = array<i64: 1, 1, 4096>}, {transform_indices = @transform_4, window_bounds = array<i64: 1, 512, 1>}]} {
    %get3A = arith.constant 0 : index
    %get3A_0 = arith.constant 0 : index
    %get3A_1 = arith.constant 0 : index
    %get3A_2 = vector.load %arg2[%get3A, %get3A_0, %get3A_1] : memref<1x1x4096xi32, #tpu.memory_space<vmem>>, vector<1x1x4096xi32>
    %get3A_3 = vector.shape_cast %get3A_2 : vector<1x1x4096xi32> to vector<1x4096xi32>
    %get3A_4 = arith.constant 0 : index
    %get3A_5 = arith.constant 0 : index
    %get3A_6 = arith.constant 0 : index
    %get3A_7 = vector.load %arg3[%get3A_4, %get3A_5, %get3A_6] : memref<1x1x4096xi32, #tpu.memory_space<vmem>>, vector<1x1x4096xi32>
    %get3A_8 = vector.shape_cast %get3A_7 : vector<1x1x4096xi32> to vector<1x4096xi32>
    %get3A_9 = arith.constant 0 : index
    %get3A_10 = arith.constant 0 : index
    %get3A_11 = arith.constant 0 : index
    %get3A_12 = vector.load %arg4[%get3A_9, %get3A_10, %get3A_11] : memref<1x1x4096xi32, #tpu.memory_space<vmem>>, vector<1x1x4096xi32>
    %get3A_13 = vector.shape_cast %get3A_12 : vector<1x1x4096xi32> to vector<1x4096xi32>
    %get3A_14 = arith.constant 0 : index
    %get3A_15 = arith.constant 0 : index
    %get3A_16 = arith.constant 0 : index
    %get3A_17 = vector.load %arg5[%get3A_14, %get3A_15, %get3A_16] : memref<1x1x4096xi32, #tpu.memory_space<vmem>>, vector<1x1x4096xi32>
    %get3A_18 = vector.shape_cast %get3A_17 : vector<1x1x4096xi32> to vector<1x4096xi32>
    %iota3A = tpu.iota {dimensions = array<i32: 0>} : vector<512x4096xi32>
    %mul3A = arith.constant 512 : i32
    %mul3A_19 = arith.muli %arg1, %mul3A : i32
    %add3A = vector.broadcast %mul3A_19 : i32 to vector<512x4096xi32>
    %add3A_20 = arith.addi %iota3A, %add3A : vector<512x4096xi32>
    %iota3A_21 = tpu.iota {dimensions = array<i32: 1>} : vector<512x4096xi32>
    %convert_element_type3A = arith.sitofp %iota3A_21 : vector<512x4096xi32> to vector<512x4096xf32>
    %eq3A = vector.broadcast %get3A_18 : vector<1x4096xi32> to vector<512x4096xi32>
    %eq3A_22 = arith.cmpi eq, %eq3A, %add3A_20 : vector<512x4096xi32>
    %eq3A_23 = arith.constant 1 : i32
    %eq3A_24 = vector.broadcast %eq3A_23 : i32 to vector<1x4096xi32>
    %eq3A_25 = arith.cmpi eq, %get3A_13, %eq3A_24 : vector<1x4096xi32>
    %and3A = vector.broadcast %eq3A_25 : vector<1x4096xi1> to vector<512x4096xi1>
    %and3A_26 = arith.andi %eq3A_22, %and3A : vector<512x4096xi1>
    %jit3A = arith.constant 0.000000e+00 : f32
    %broadcast_in_dim3A = vector.broadcast %jit3A : f32 to vector<512x4096xf32>
    %select_n3A = arith.select %and3A_26, %convert_element_type3A, %broadcast_in_dim3A : vector<512x4096xi1>, vector<512x4096xf32>
    %reduce_sum3A = arith.constant dense<0.000000e+00> : vector<512xf32>
    %reduce_sum3A_27 = vector.multi_reduction <add>, %select_n3A, %reduce_sum3A [1] : vector<512x4096xf32> to vector<512xf32>
    %broadcast_in_dim3A_28 = vector.shape_cast %reduce_sum3A_27 : vector<512xf32> to vector<512x1xf32>
    %convert_element_type3A_29 = arith.fptosi %broadcast_in_dim3A_28 : vector<512x1xf32> to vector<512x1xi32>
    %eq3A_30 = vector.broadcast %get3A_3 : vector<1x4096xi32> to vector<512x4096xi32>
    %eq3A_31 = vector.broadcast %convert_element_type3A_29 : vector<512x1xi32> to vector<512x4096xi32>
    %eq3A_32 = arith.cmpi eq, %eq3A_30, %eq3A_31 : vector<512x4096xi32>
    %jit3A_33 = arith.constant 0.000000e+00 : f32
    %broadcast_in_dim3A_34 = vector.broadcast %jit3A_33 : f32 to vector<512x4096xf32>
    %select_n3A_35 = arith.select %eq3A_32, %convert_element_type3A, %broadcast_in_dim3A_34 : vector<512x4096xi1>, vector<512x4096xf32>
    %reduce_sum3A_36 = arith.constant dense<0.000000e+00> : vector<512xf32>
    %reduce_sum3A_37 = vector.multi_reduction <add>, %select_n3A_35, %reduce_sum3A_36 [1] : vector<512x4096xf32> to vector<512xf32>
    %broadcast_in_dim3A_38 = vector.shape_cast %reduce_sum3A_37 : vector<512xf32> to vector<512x1xf32>
    %convert_element_type3A_39 = arith.fptosi %broadcast_in_dim3A_38 : vector<512x1xf32> to vector<512x1xi32>
    %eq3A_40 = vector.broadcast %get3A_8 : vector<1x4096xi32> to vector<512x4096xi32>
    %eq3A_41 = arith.cmpi eq, %eq3A_40, %add3A_20 : vector<512x4096xi32>
    %jit3A_42 = arith.constant 0.000000e+00 : f32
    %broadcast_in_dim3A_43 = vector.broadcast %jit3A_42 : f32 to vector<512x4096xf32>
    %select_n3A_44 = arith.select %eq3A_41, %convert_element_type3A, %broadcast_in_dim3A_43 : vector<512x4096xi1>, vector<512x4096xf32>
    %reduce_sum3A_45 = arith.constant dense<0.000000e+00> : vector<512xf32>
    %reduce_sum3A_46 = vector.multi_reduction <add>, %select_n3A_44, %reduce_sum3A_45 [1] : vector<512x4096xf32> to vector<512xf32>
    %broadcast_in_dim3A_47 = vector.shape_cast %reduce_sum3A_46 : vector<512xf32> to vector<512x1xf32>
    %convert_element_type3A_48 = arith.fptosi %broadcast_in_dim3A_47 : vector<512x1xf32> to vector<512x1xi32>
    %convert_element_type3A_49 = arith.sitofp %get3A_13 : vector<1x4096xi32> to vector<1x4096xf32>
    %reduce_sum3A_50 = vector.shape_cast %convert_element_type3A_49 : vector<1x4096xf32> to vector<1x1x4096xf32>
    %reduce_sum3A_51 = arith.constant dense<0.000000e+00> : vector<1xf32>
    %reduce_sum3A_52 = vector.multi_reduction <add>, %reduce_sum3A_50, %reduce_sum3A_51 [1, 2] : vector<1x1x4096xf32> to vector<1xf32>
    %reduce_sum3A_53 = vector.shape_cast %reduce_sum3A_52 : vector<1xf32> to vector<1x1x1xf32>
    %reduce_sum3A_54 = vector.extract %reduce_sum3A_53[0, 0, 0] : f32 from vector<1x1x1xf32>
    %convert_element_type3A_55 = arith.fptosi %reduce_sum3A_54 : f32 to i32
    %slice3A = vector.extract_strided_slice %add3A_20 {offsets = [0, 0], sizes = [512, 1], strides = [1, 1]} : vector<512x4096xi32> to vector<512x1xi32>
    %lt3A = vector.broadcast %convert_element_type3A_55 : i32 to vector<512x1xi32>
    %lt3A_56 = arith.cmpi slt, %slice3A, %lt3A : vector<512x1xi32>
    %mul3A_57 = arith.constant 4096 : i32
    %mul3A_58 = arith.muli %arg0, %mul3A_57 : i32
    %add3A_59 = vector.broadcast %mul3A_58 : i32 to vector<512x1xi32>
    %add3A_60 = arith.addi %convert_element_type3A_39, %add3A_59 : vector<512x1xi32>
    %mul3A_61 = arith.constant 4096 : i32
    %mul3A_62 = arith.muli %arg0, %mul3A_61 : i32
    %add3A_63 = vector.broadcast %mul3A_62 : i32 to vector<512x1xi32>
    %add3A_64 = arith.addi %convert_element_type3A_48, %add3A_63 : vector<512x1xi32>
    %add3A_65 = arith.constant 16384 : i32
    %add3A_66 = vector.broadcast %add3A_65 : i32 to vector<512x1xi32>
    %add3A_67 = arith.addi %add3A_64, %add3A_66 : vector<512x1xi32>
    %select_n3A_68 = arith.select %lt3A_56, %add3A_60, %add3A_67 : vector<512x1xi1>, vector<512x1xi32>
    %swap3A = arith.constant 0 : index
    %swap3A_69 = arith.constant 0 : index
    %swap3A_70 = arith.constant 0 : index
    %swap3A_71 = vector.load %arg6[%swap3A, %swap3A_69, %swap3A_70] : memref<1x512x1xi32, #tpu.memory_space<vmem>>, vector<1x512x1xi32>
    %swap3A_72 = vector.shape_cast %swap3A_71 : vector<1x512x1xi32> to vector<512x1xi32>
    %swap3A_73 = vector.shape_cast %select_n3A_68 : vector<512x1xi32> to vector<1x512x1xi32>
    tpu.vector_store %arg6[%swap3A, %swap3A_69, %swap3A_70], %swap3A_73 {strides = array<i32>} : memref<1x512x1xi32, #tpu.memory_space<vmem>>, vector<1x512x1xi32>,
    return
  }
  func.func @transform_0(%arg0: i32, %arg1: i32) -> (i32, i32, i32) {
    %c0_i32 = arith.constant 0 : i32
    %c0_i32_0 = arith.constant 0 : i32
    %c0_i32_1 = arith.constant 0 : i32
    return %arg0, %c0_i32, %c0_i32_0 : i32, i32, i32
  }
  func.func @transform_1(%arg0: i32, %arg1: i32) -> (i32, i32, i32) {
    %c0_i32 = arith.constant 0 : i32
    %c0_i32_0 = arith.constant 0 : i32
    %c0_i32_1 = arith.constant 0 : i32
    return %arg0, %c0_i32, %c0_i32_0 : i32, i32, i32
  }
  func.func @transform_2(%arg0: i32, %arg1: i32) -> (i32, i32, i32) {
    %c0_i32 = arith.constant 0 : i32
    %c0_i32_0 = arith.constant 0 : i32
    %c0_i32_1 = arith.constant 0 : i32
    return %arg0, %c0_i32, %c0_i32_0 : i32, i32, i32
  }
  func.func @transform_3(%arg0: i32, %arg1: i32) -> (i32, i32, i32) {
    %c0_i32 = arith.constant 0 : i32
    %c0_i32_0 = arith.constant 0 : i32
    %c0_i32_1 = arith.constant 0 : i32
    return %arg0, %c0_i32, %c0_i32_0 : i32, i32, i32
  }
  func.func @transform_4(%arg0: i32, %arg1: i32) -> (i32, i32, i32) {
    %mul3A = arith.constant 8 : i32
    %mul3A_0 = arith.muli %arg0, %mul3A : i32
    %add3A = arith.addi %mul3A_0, %arg1 : i32
    %c0_i32 = arith.constant 0 : i32
    %c0_i32_1 = arith.constant 0 : i32
    %c0_i32_2 = arith.constant 0 : i32
    return %add3A, %c0_i32, %c0_i32_1 : i32, i32, i32
  }
}

</mosaic_0001>

<sc_bundles>
// kernel: kernel.5.cloned.1.call-start
scs
__scs_entry_jumppad:
0x0: {  	(pc) =	sbr.rel $0x88, $3  }
0x1: {  	(tag) =	ssettag $0x0;
	lr =	simm.s32 $0x1  }
0x2: {  	[smem:$0x3F9C] =	sst lr;
	_ =	strace $0xD0000000  }
0x3: {  	_ = 	snop  }
0x4: {  	_ = 	snop  }
0x5: {  	_ = 	snop  }
0x6: {  	_ = 	snop  }
0x7: {  	_ = 	snop  }
__scs_overlays_trampoline_lowered:
0x8: {  	[smem:$0x3FAB] =	sst s0  }
0x9: {  	[smem:$0x3FAC] =	sst s1  }
0xa: {  	[smem:$0x3FAD] =	sst s2  }
0xb: {  	[smem:$0x3FAE] =	sst s3  }
0xc: {  	[smem:$0x3FAF] =	sst s4  }
0xd: {  	[smem:$0x3FB0] =	sst s5  }
0xe: {  	[smem:$0x3FB1] =	sst s6  }
0xf: {  	[smem:$0x3FB2] =	sst s7  }
0x10: {  	[smem:$0x3FB3] =	sst s8  }
0x11: {  	[smem:$0x3FB4] =	sst s9;
	s0 =	simm.s32 @!p0 $0x0  }
0x12: {  	s1 =	sld [smem:$0x3F9A];
	s0 =	simm.s32 @p0 $0x1  }
0x13: {  	[smem:$0x3FB5] =	sst s0;
	s0 =	simm.s32 @!p1 $0x0  }
0x14: {  	s2 =	sld [smem:$0x3F99];
	s0 =	simm.s32 @p1 $0x1  }
0x15: {  	[smem:$0x3FB6] =	sst s0;
	s0 =	simm.s32 @!p2 $0x0  }
0x16: {  	s3 =	sld [smem:$0x3FDB];
	s0 =	simm.s32 @p2 $0x1  }
0x17: {  	s4 =	simm.s32 $0x1BF5;
	[smem:$0x3FB8] =	sst s0  }
0x18: {  	s0 =	sld [smem:$0x3F9B];
	_ =	swait.ge [sflag:s4], $0x0  }
0x19: {  	s7 =	sld [smem:$0x3F9C]  }
0x1a: {  	s8 =	sadd.s32 $0xFFFFE003, lr  }
0x1b: {  	s9 =	sadd.s32 $0xFFFFFEF7, lr;
	s5 =	simm.s32 $0xFFFFFFFF;
	p2 =	slt.u32 s8, $0xFFFFF086  }
0x1c: {  	p1 =	slt.u32 s9, $0xF7A;
	s5 =	simm.s32 @!p2 $0x0  }
0x1d: {  	s5 =	simm.s32 @p1 $0x1;
	p0 =	seq.s32 s7, s2  }
0x1e: {  	s7 =	smul.u32 @!p0 $0xF7A, s2;
	p2 =	seq.s32 @!p0 s5, $0x0  }
0x1f: {  	s9 =	smul.u32 $0xF7A, s1;
	s8 =	simm.s32 @!p0 $0x1BF5;
	p2 =	por !p2, p0  }
0x20: {  	[sflag:s8] =	ssyncset.s32 @!p0 $0xFFFFF086;
	s6 =	sadd.s32 @!p0 s3, s7;
	s7 =	simm.s32 @!p0 $0x108  }
0x21: {  	s3 =	sadd.s32 s3, s9;
	s6 =	sadd.s32 @!p0 $0x88, s6;
	s7 =	simm.s32 @p2 $0x1082  }
0x22: {  	[simem:s7], [sflag:s8] =	dma.local @!p0 [hbm:s6], $0xF7A  }
0x23: {  	s9 =	sor.u32 $0xD0000000, s2;
	s6 =	simm.s32 $0x108;
	_ =	swait.ge @!p0 [sflag:s8], $0x0  }
0x24: {  	s3 =	sadd.s32 $0x88, s3;
	s6 =	simm.s32 @!p1 $0x1082;
	[sflag:s4] =	ssyncset.s32 $0xFFFFF086  }
0x25: {  	[simem:s6], [sflag:s4] =	dma.local [hbm:s3], $0xF7A  }
0x26: {  	[smem:$0x3F9C] =	sst s1;
	(tag) =	ssettag s2;
	_ =	strace s9  }
0x27: {  	s1 =	sld [smem:$0x3FAC]  }
0x28: {  	s2 =	sld [smem:$0x3FAD]  }
0x29: {  	s4 =	sld [smem:$0x3FAF]  }
0x2a: {  	p0 =	seq.s32 s5, $0x0;
	s5 =	sld [smem:$0x3FB0]  }
0x2b: {  	s6 =	sld [smem:$0x3FB1]  }
0x2c: {  	s7 =	sld [smem:$0x3FB2]  }
0x2d: {  	s3 =	simm.s32 $0x108;
	s8 =	sld [smem:$0x3FB3]  }
0x2e: {  	s3 =	simm.s32 @!p0 $0x1082;
	s9 =	sld [smem:$0x3FB4]  }
0x2f: {  	lr =	sadd.s32 s0, s3;
	s0 =	sld [smem:$0x3FAB]  }
0x30: {  	s3 =	sld [smem:$0x3FAE]  }
0x31: {  	[smem:$0x3FB7] =	sst s10  }
0x32: {  	s10 =	sld [smem:$0x3FB5];
	_ =	sdelay $0x3  }
0x33: {  	p0 =	seq.s32 s10, $0x1;
	s10 =	sld [smem:$0x3FB7];
	_ =	sdelay $0x3  }
0x34: {  	[smem:$0x3FB7] =	sst s10  }
0x35: {  	s10 =	sld [smem:$0x3FB6];
	_ =	sdelay $0x3  }
0x36: {  	p1 =	seq.s32 s10, $0x1;
	s10 =	sld [smem:$0x3FB7];
	_ =	sdelay $0x3  }
0x37: {  	[smem:$0x3FB7] =	sst s10  }
0x38: {  	s10 =	sld [smem:$0x3FB8]  }
0x39: {  	_ = 	snop;
	(pc) =	sbr.ind lr, $3  }
0x3a: {  	_ = 	snop  }
0x3b: {  	_ = 	snop  }
0x3c: {  	p2 =	seq.s32 s10, $0x1;
	s10 =	sld [smem:$0x3FB7]  }
0x3d: {  	_ =	shalt  }
0x3e: {  	_ =	shalt  }
0x3f: {  	_ =	shalt  }
0x40: {  	_ =	shalt  }
0x41: {  	_ =	shalt  }
0x42: {  	_ =	shalt  }
0x43: {  	_ =	shalt  }
0x44: {  	_ =	shalt  }
0x45: {  	_ =	shalt  }
0x46: {  	_ =	shalt  }
0x47: {  	_ =	shalt  }
0x48: {  	_ =	shalt  }
0x49: {  	_ =	shalt  }
0x4a: {  	_ =	shalt  }
0x4b: {  	_ =	shalt  }
0x4c: {  	_ =	shalt  }
0x4d: {  	_ =	shalt  }
0x4e: {  	_ =	shalt  }
0x4f: {  	_ =	shalt  }
0x50: {  	_ =	shalt  }
0x51: {  	_ =	shalt  }
0x52: {  	_ =	shalt  }
0x53: {  	_ =	shalt  }
0x54: {  	_ =	shalt  }
0x55: {  	_ =	shalt  }
0x56: {  	_ =	shalt  }
0x57: {  	_ =	shalt  }
0x58: {  	_ =	shalt  }
0x59: {  	_ =	shalt  }
0x5a: {  	_ =	shalt  }
0x5b: {  	_ =	shalt  }
0x5c: {  	_ =	shalt  }
0x5d: {  	_ =	shalt  }
0x5e: {  	_ =	shalt  }
0x5f: {  	_ =	shalt  }
0x60: {  	_ =	shalt  }
0x61: {  	_ =	shalt  }
0x62: {  	_ =	shalt  }
0x63: {  	_ =	shalt  }
0x64: {  	_ =	shalt  }
0x65: {  	_ =	shalt  }
0x66: {  	_ =	shalt  }
0x67: {  	_ =	shalt  }
0x68: {  	_ =	shalt  }
0x69: {  	_ =	shalt  }
0x6a: {  	_ =	shalt  }
0x6b: {  	_ =	shalt  }
0x6c: {  	_ =	shalt  }
0x6d: {  	_ =	shalt  }
0x6e: {  	_ =	shalt  }
0x6f: {  	_ =	shalt  }
0x70: {  	_ =	shalt  }
0x71: {  	_ =	shalt  }
0x72: {  	_ =	shalt  }
0x73: {  	_ =	shalt  }
0x74: {  	_ =	shalt  }
0x75: {  	_ =	shalt  }
0x76: {  	_ =	shalt  }
0x77: {  	_ =	shalt  }
0x78: {  	_ =	shalt  }
0x79: {  	_ =	shalt  }
0x7a: {  	_ =	shalt  }
0x7b: {  	_ =	shalt  }
0x7c: {  	_ =	shalt  }
0x7d: {  	_ =	shalt  }
0x7e: {  	_ =	shalt  }
0x7f: {  	_ =	shalt  }
0x80: {  	_ =	shalt  }
0x81: {  	_ =	shalt  }
0x82: {  	_ =	shalt  }
0x83: {  	_ =	shalt  }
0x84: {  	_ =	shalt  }
0x85: {  	_ =	shalt  }
0x86: {  	_ =	shalt  }
0x87: {  	_ =	shalt  }
.Lfunc_end0:
.L_simem_size_0:
called_computation_lowered:
.L_overlay_start_0:
0x88: {  	s2 =	sld [smem:$0x3FD9]  }
0x89: {  	s3 =	sld [smem:$0x3FFE];
	_ =	sdelay $0x1  }
0x8a: {  	s1 =	srdreg.scid  }
0x8b: {  	s0 =	sand.u32 $0x1, s1  }
0x8c: {  	s14 =	sshll.u32 s0, $0xA;
	s2 =	sadd.s32 s3, s2  }
0x8d: {  	s2 =	sadd.s32 s2, s14  }
0x8e: {  	[smem:$0x3FC3] =	sst s2  }
0x8f: {  	_ = 	snop  }
0x90: {  	s2 =	sld [smem:$0x3FD0];
	_ =	sdelay $0x2  }
0x91: {  	s15 =	simm.s32 $0xA;
	s4 =	simm.s32 $0x10  }
0x92: {  	[smem:s4], [sflag:s15] =	dma.local [hbm:s2], $0x1  }
0x93: {  	_ =	swait.eq [sflag:s15], $0x1  }
0x94: {  	[sflag:s15] =	ssyncset.done $0x0  }
0x95: {  	[sflag:s15] =	ssyncadd.s32 $0xFFFFFFFF  }
0x96: {  	s16 =	sld [smem:$0x11];
	(tm) =	ssettm $0x1  }
0x97: {  	s17 =	sld [smem:$0x3FFB];
	_ =	sdelay $0x3  }
0x98: {  	_ =	strace s17  }
0x99: {  	s3 =	sld [smem:$0x3FFC];
	_ =	sdelay $0x3  }
0x9a: {  	_ =	strace s3  }
0x9b: {  	s3 =	sld [smem:$0x3FFD];
	_ =	sdelay $0x3  }
0x9c: {  	_ =	strace s3  }
0x9d: {  	_ =	strace $0x8FFFFFFF  }
0x9e: {  	s18 =	sld [smem:$0x3FDB];
	_ =	sdelay $0x1  }
0x9f: {  	s19 =	simm.s32 $_scs_section_size  }
0xa0: {  	s5 =	simm.s32 $_size__tile_overlayer_lowered;
	s6 =	simm.s32 $_tile_overlayer_lowered  }
0xa1: {  	s22 =	simm.s32 $0x1BFF;
	s21 =	sshll.u32 s6, $0x1;
	s3 =	sadd.s32 s19, s18  }
0xa2: {  	s7 =	simm.s32 $0x0;
	s20 =	sshll.u32 s5, $0x1;
	s5 =	sadd.s32 s21, s3  }
0xa3: {  	[timem:s7], [sflag:s22] =	dma.local [hbm:s5], s20  }
0xa4: {  	_ =	swait.ge [sflag:s22], s20  }
0xa5: {  	s4 =	ssub.s32 $0x0, s20;
	[sflag:s22] =	ssyncset.done $0x0  }
0xa6: {  	[sflag:s22] =	ssyncadd.s32 s4;
	_ =	sdelay $0x1  }
0xa7: {  	s23 =	simm.s32 $0x1B8B  }
0xa8: {  	_ =	swait.ge [sflag:s23], $0x1  }
0xa9: {  	[sflag:s23] =	ssyncset.done $0x0  }
0xaa: {  	s25 =	simm.s32 $0x1B8E;
	s24 =	sld [smem:$0x3FFE];
	[sflag:s23] =	ssyncadd.s32 $0xFFFFFFFF  }
0xab: {  	s26 =	simm.s32 $execute0_lowered;
	[smem:$0x3FD2] =	sst s25  }
0xac: {  	s5 =	sshll.u32 s26, $0x1;
	_ =	strace $0x80000046;
	[dreg:$0x1] =	wrdreg $0xFFFFFFFF  }
0xad: {  	s28 =	simm.s32 $_size_execute0_lowered;
	s3 =	sadd.s32 s3, s5;
	[dreg:$0x0] =	wrdreg $0x0  }
0xae: {  	s5 =	sshll.u32 s28, $0x1;
	[dreg:$0x2] =	wrdreg s3  }
0xaf: {  	[dreg:$0x3] =	wrdreg s5  }
0xb0: {  	[dreg:$0x4] =	wrdreg $0xC0  }
0xb1: {  	_ =	task [dreg:s7], $0x5FFFF  }
0xb2: {  	[dreg:$0x1] =	wrdreg $0xFFFFFFFF  }
0xb3: {  	[dreg:$0x0] =	wrdreg $0x60  }
0xb4: {  	[dreg:$0x2] =	wrdreg s24  }
0xb5: {  	[dreg:$0x3] =	wrdreg s16  }
0xb6: {  	[dreg:$0x4] =	wrdreg $0x9  }
0xb7: {  	_ =	task.clear_ibuf [dreg:s7], $0x5FFFF;
	_ =	strace $0x90000046  }
0xb8: {  	s29 =	simm.s32 $0x9;
	_ =	strace $0x80000048  }
0xb9: {  	_ =	swait.ge [sflag:s29], $0x1  }
0xba: {  	[sflag:s29] =	ssyncadd.s32 $0xFFFFFFFF  }
0xbb: {  	_ =	strace $0x90000048  }
0xbc: {  	_ =	sfence  }
0xbd: {  	s30 =	sld [smem:$0x0];
	_ =	sdelay $0x2  }
0xbe: {  	s31 =	sshll.u32 s1, $0xD;
	s1 =	sshrl.u32 s1, $0x2  }
0xbf: {  	s3 =	sand.u32 $0x4000, s31;
	s1 =	sadd.s32 s1, s30  }
0xc0: {  	s0 =	sor.u32 s3, s0;
	s1 =	sshll.u32 s1, $0x11  }
0xc1: {  	s0 =	sor.u32 s1, s0  }
0xc2: {  	s0 =	sadd.s32 $0x8F2B, s0  }
0xc3: {  	[sflag:s0] =	ssyncadd.remote.s32 $0x1  }
0xc4: {  	_ =	sfence.sel $0xFFFF  }
0xc5: {  	[dreg:$0x0] =	wrdreg $0xFFFFFFFF;
	(pc) =	sbr.abs _section_cstart, $3  }
0xc6: {  	[dreg:$0x1] =	wrdreg $0xFFFFFFFF  }
0xc7: {  	_ =	task.clear_ibuf [dreg:s7], $0x2FFFF;
	_ =	strace $0x9FFFFFFF  }
0xc8: {  	(tm) =	ssettm $0x7FFFFFFF  }
0xc9: {  	_ =	shalt  }
tec
execute0_lowered:
.L_overlay_start_1:
0x0: {  	(tag) =	ssettag $0x1  }
0x1: {  	s1 =	rddreg [dreg:$0x0]  }
0x2: {  	s0 =	rddreg [dreg:$0x1];
	s2 =	srdreg.scid;
	s3 =	simm.s32 $0x0  }
0x3: {  	s4 =	stileid.u32;
	s14 =	simm.s32 $0x1;
	s2 =	sand.u32 $0x1, s2  }
0x4: {  	[smem:$0x7FF] =	sst s3;
	s4 =	sshll.u32 s4, $0x7;
	s5 =	sshll.u32 s2, $0x6  }
0x5: {  	s21 =	sadd.s32 $0x180000, s1;
	s2 =	ssub.s32 $0x2, s2;
	s4 =	sor.u32 s5, s4  }
0x6: {  	_ =	strace $0x80000047;
	s7 =	sshrl.u32 s2, $0x1;
	s6 =	smul.u32 $0x180, s4  }
0x7: {  	s8 =	sadd.s32 s0, s4;
	s9 =	sor.u32 $0x10, s4;
	s24 =	sor.u32 $0x20, s4  }
0x8: {  	s4 =	sor.u32 $0x30, s4;
	[dreg:$0x3] =	wrdreg s8;
	s23 =	sadd.s32 s0, s9  }
0x9: {  	s2 =	ssub.s32 s2, s7;
	s28 =	sadd.s32 s0, s24;
	[dreg:$0x5] =	wrdreg s23  }
0xa: {  	s22 =	smul.u32 $0x180, s9;
	s0 =	sadd.s32 s0, s4;
	[dreg:$0x7] =	wrdreg s28  }
0xb: {  	s26 =	smul.u32 $0x180, s24;
	s6 =	sadd.s32 s21, s6;
	[dreg:$0x9] =	wrdreg s0  }
0xc: {  	s30 =	smul.u32 $0x180, s4;
	[dreg:$0x4] =	wrdreg s6;
	s25 =	sadd.s32 s21, s22  }
0xd: {  	v2 =	vlaneseq.u32;
	s4 =	sadd.s32 $0x100, s1;
	s29 =	sadd.s32 s21, s26;
	[dreg:$0x6] =	wrdreg s25  }
0xe: {  	vm0 =	vmmov $0xffff;
	vm1 =	vmmov $0xff;
	v1 =	vshrl.u32 v2, $0x3;
	s5 =	smax.u32 s2, $0x1;
	s31 =	sadd.s32 s21, s30;
	[dreg:$0x8] =	wrdreg s29  }
0xf: {  	v0 =	vand.u32 $0x7, v2;
	v2 =	vor.u32 $0x8, v2;
	v1 =	vmul.u32 $0x8, v1;
	s6 =	simm.s32 $0x2;
	[dreg:$0xa] =	wrdreg s31;
	s25 =	simm.s32 $0x80  }
.LBB2_1:
0x10: {  	s15 =	rddreg [dreg:$0x3]  }
0x11: {  	[tilespmem:s3], [sflag:$0x2] =	stream.linear.gather [hbm4b:s15+s3], $0x80, $0x38;
	[tilespmem:$0xC080] =	vst v63  }
0x12: {  	_ =	swait.ge [sflag:s6], $0x80  }
0x13: {  	[sflag:s6] =	ssyncset.done $0x0  }
0x14: {  	[sflag:s6] =	ssyncadd.s32 $0xFFFFFF80  }
0x15: {  	v3 =	vld [tilespmem:$0x0];
	_ =	sdelay $0x4  }
0x16: {  	v4 =	vshrl.u32 v3, $0x3  }
0x17: {  	v4 =	vmul.u32 $0x18, v4  }
0x18: {  	v3 =	vand.u32 $0x7, v3  }
0x19: {  	v3 =	vor.u32 v3, v4  }
0x1a: {  	v4 =	vperm.xlane v3, v0;
	_ =	sdelay $0x1  }
0x1b: {  	v4 =	vadd.s32 v1, v4;
	_ =	sdelay $0x1  }
0x1c: {  	v3 =	vperm.xlane v3, v2;
	_ =	sdelay $0x1  }
0x1d: {  	v3 =	vadd.s32 v1, v3  }
0x1e: {  	[tilespmem:s25], [sflag:$0x1] =	stream.indirect_vreg.gather [hbm4b:s1+s3], $0x80, v4, vm0, $0xb8;
	[tilespmem:$0xC080] =	vst v63  }
0x1f: {  	s0 =	simm.s32 $0x880  }
0x20: {  	[tilespmem:s0], [sflag:$0x1] =	stream.indirect_vreg.gather [hbm4b:s4+s3], $0x80, v4, vm1, $0xb8;
	[tilespmem:$0xC080] =	vst v63  }
0x21: {  	s7 =	simm.s32 $0xC80  }
0x22: {  	[tilespmem:s7], [sflag:$0x1] =	stream.indirect_vreg.gather [hbm4b:s1+s3], $0x80, v3, vm0, $0xb8;
	[tilespmem:$0xC080] =	vst v63  }
0x23: {  	s8 =	simm.s32 $0x1480  }
0x24: {  	[tilespmem:s8], [sflag:$0x1] =	stream.indirect_vreg.gather [hbm4b:s4+s3], $0x80, v3, vm1, $0xb8;
	[tilespmem:$0xC080] =	vst v63  }
0x25: {  	v3 =	vld [tilespmem:$0x10];
	_ =	sdelay $0x4  }
0x26: {  	v33 =	vshrl.u32 v3, $0x3  }
0x27: {  	v4 =	vmul.u32 $0x18, v33  }
0x28: {  	v3 =	vand.u32 $0x7, v3  }
0x29: {  	v3 =	vor.u32 v3, v4  }
0x2a: {  	v4 =	vperm.xlane v3, v0;
	_ =	sdelay $0x1  }
0x2b: {  	v4 =	vadd.s32 v1, v4;
	_ =	sdelay $0x1  }
0x2c: {  	v3 =	vperm.xlane v3, v2;
	_ =	sdelay $0x1  }
0x2d: {  	s9 =	simm.s32 $0x1880;
	v3 =	vadd.s32 v1, v3  }
0x2e: {  	[tilespmem:s9], [sflag:$0x1] =	stream.indirect_vreg.gather [hbm4b:s1+s3], $0x80, v4, vm0, $0xb8;
	[tilespmem:$0xC080] =	vst v63  }
0x2f: {  	s10 =	simm.s32 $0x2080  }
0x30: {  	[tilespmem:s10], [sflag:$0x1] =	stream.indirect_vreg.gather [hbm4b:s4+s3], $0x80, v4, vm1, $0xb8;
	[tilespmem:$0xC080] =	vst v63  }
0x31: {  	s11 =	simm.s32 $0x2480  }
0x32: {  	[tilespmem:s11], [sflag:$0x1] =	stream.indirect_vreg.gather [hbm4b:s1+s3], $0x80, v3, vm0, $0xb8;
	[tilespmem:$0xC080] =	vst v63  }
0x33: {  	s12 =	simm.s32 $0x2C80  }
0x34: {  	[tilespmem:s12], [sflag:$0x1] =	stream.indirect_vreg.gather [hbm4b:s4+s3], $0x80, v3, vm1, $0xb8;
	[tilespmem:$0xC080] =	vst v63  }
0x35: {  	v3 =	vld [tilespmem:$0x20];
	_ =	sdelay $0x4  }
0x36: {  	v34 =	vshrl.u32 v3, $0x3  }
0x37: {  	v4 =	vmul.u32 $0x18, v34  }
0x38: {  	v3 =	vand.u32 $0x7, v3  }
0x39: {  	v3 =	vor.u32 v3, v4  }
0x3a: {  	v4 =	vperm.xlane v3, v0;
	_ =	sdelay $0x1  }
0x3b: {  	v4 =	vadd.s32 v1, v4;
	_ =	sdelay $0x1  }
0x3c: {  	v3 =	vperm.xlane v3, v2;
	_ =	sdelay $0x1  }
0x3d: {  	s13 =	simm.s32 $0x3080;
	v3 =	vadd.s32 v1, v3  }
0x3e: {  	[tilespmem:s13], [sflag:$0x1] =	stream.indirect_vreg.gather [hbm4b:s1+s3], $0x80, v4, vm0, $0xb8;
	[tilespmem:$0xC080] =	vst v63  }
0x3f: {  	s15 =	simm.s32 $0x3880  }
0x40: {  	[tilespmem:s15], [sflag:$0x1] =	stream.indirect_vreg.gather [hbm4b:s4+s3], $0x80, v4, vm1, $0xb8;
	[tilespmem:$0xC080] =	vst v63  }
0x41: {  	s16 =	simm.s32 $0x3C80  }
0x42: {  	[tilespmem:s16], [sflag:$0x1] =	stream.indirect_vreg.gather [hbm4b:s1+s3], $0x80, v3, vm0, $0xb8;
	[tilespmem:$0xC080] =	vst v63  }
0x43: {  	s17 =	simm.s32 $0x4480  }
0x44: {  	[tilespmem:s17], [sflag:$0x1] =	stream.indirect_vreg.gather [hbm4b:s4+s3], $0x80, v3, vm1, $0xb8;
	[tilespmem:$0xC080] =	vst v63  }
0x45: {  	v3 =	vld [tilespmem:$0x30];
	_ =	sdelay $0x4  }
0x46: {  	v35 =	vshrl.u32 v3, $0x3  }
0x47: {  	v4 =	vmul.u32 $0x18, v35  }
0x48: {  	v3 =	vand.u32 $0x7, v3  }
0x49: {  	v3 =	vor.u32 v3, v4  }
0x4a: {  	v4 =	vperm.xlane v3, v0;
	_ =	sdelay $0x1  }
0x4b: {  	v4 =	vadd.s32 v1, v4;
	_ =	sdelay $0x1  }
0x4c: {  	v3 =	vperm.xlane v3, v2;
	_ =	sdelay $0x1  }
0x4d: {  	s18 =	simm.s32 $0x4880;
	v3 =	vadd.s32 v1, v3  }
0x4e: {  	[tilespmem:s18], [sflag:$0x1] =	stream.indirect_vreg.gather [hbm4b:s1+s3], $0x80, v4, vm0, $0xb8;
	[tilespmem:$0xC080] =	vst v63  }
0x4f: {  	s19 =	simm.s32 $0x5080  }
0x50: {  	[tilespmem:s19], [sflag:$0x1] =	stream.indirect_vreg.gather [hbm4b:s4+s3], $0x80, v4, vm1, $0xb8;
	[tilespmem:$0xC080] =	vst v63  }
0x51: {  	s20 =	simm.s32 $0x5480  }
0x52: {  	[tilespmem:s20], [sflag:$0x1] =	stream.indirect_vreg.gather [hbm4b:s1+s3], $0x80, v3, vm0, $0xb8;
	[tilespmem:$0xC080] =	vst v63  }
0x53: {  	s21 =	simm.s32 $0x5C80  }
0x54: {  	[tilespmem:s21], [sflag:$0x1] =	stream.indirect_vreg.gather [hbm4b:s4+s3], $0x80, v3, vm1, $0xb8;
	[tilespmem:$0xC080] =	vst v63  }
0x55: {  	v3 =	vld [tilespmem:$0x40];
	_ =	sdelay $0x4  }
0x56: {  	v36 =	vshrl.u32 v3, $0x3  }
0x57: {  	v4 =	vmul.u32 $0x18, v36  }
0x58: {  	v3 =	vand.u32 $0x7, v3  }
0x59: {  	v3 =	vor.u32 v3, v4  }
0x5a: {  	v4 =	vperm.xlane v3, v0;
	_ =	sdelay $0x1  }
0x5b: {  	v4 =	vadd.s32 v1, v4;
	_ =	sdelay $0x1  }
0x5c: {  	v3 =	vperm.xlane v3, v2;
	_ =	sdelay $0x1  }
0x5d: {  	s22 =	simm.s32 $0x6080;
	v3 =	vadd.s32 v1, v3  }
0x5e: {  	[tilespmem:s22], [sflag:$0x1] =	stream.indirect_vreg.gather [hbm4b:s1+s3], $0x80, v4, vm0, $0xb8;
	[tilespmem:$0xC080] =	vst v63  }
0x5f: {  	s23 =	simm.s32 $0x6880  }
0x60: {  	[tilespmem:s23], [sflag:$0x1] =	stream.indirect_vreg.gather [hbm4b:s4+s3], $0x80, v4, vm1, $0xb8;
	[tilespmem:$0xC080] =	vst v63  }
0x61: {  	s24 =	simm.s32 $0x6C80  }
0x62: {  	[tilespmem:s24], [sflag:$0x1] =	stream.indirect_vreg.gather [hbm4b:s1+s3], $0x80, v3, vm0, $0xb8;
	[tilespmem:$0xC080] =	vst v63  }
0x63: {  	s26 =	simm.s32 $0x7480  }
0x64: {  	[tilespmem:s26], [sflag:$0x1] =	stream.indirect_vreg.gather [hbm4b:s4+s3], $0x80, v3, vm1, $0xb8;
	[tilespmem:$0xC080] =	vst v63  }
0x65: {  	v3 =	vld [tilespmem:$0x50];
	_ =	sdelay $0x4  }
0x66: {  	v37 =	vshrl.u32 v3, $0x3  }
0x67: {  	v4 =	vmul.u32 $0x18, v37  }
0x68: {  	v3 =	vand.u32 $0x7, v3  }
0x69: {  	v3 =	vor.u32 v3, v4  }
0x6a: {  	v4 =	vperm.xlane v3, v0;
	_ =	sdelay $0x1  }
0x6b: {  	v4 =	vadd.s32 v1, v4;
	_ =	sdelay $0x1  }
0x6c: {  	v3 =	vperm.xlane v3, v2;
	_ =	sdelay $0x1  }
0x6d: {  	s28 =	simm.s32 $0x7880;
	v3 =	vadd.s32 v1, v3  }
0x6e: {  	[tilespmem:s28], [sflag:$0x1] =	stream.indirect_vreg.gather [hbm4b:s1+s3], $0x80, v4, vm0, $0xb8;
	[tilespmem:$0xC080] =	vst v63  }
0x6f: {  	s29 =	simm.s32 $0x8080  }
0x70: {  	[tilespmem:s29], [sflag:$0x1] =	stream.indirect_vreg.gather [hbm4b:s4+s3], $0x80, v4, vm1, $0xb8;
	[tilespmem:$0xC080] =	vst v63  }
0x71: {  	s30 =	simm.s32 $0x8480  }
0x72: {  	[tilespmem:s30], [sflag:$0x1] =	stream.indirect_vreg.gather [hbm4b:s1+s3], $0x80, v3, vm0, $0xb8;
	[tilespmem:$0xC080] =	vst v63  }
0x73: {  	s31 =	simm.s32 $0x8C80  }
0x74: {  	[tilespmem:s31], [sflag:$0x1] =	stream.indirect_vreg.gather [hbm4b:s4+s3], $0x80, v3, vm1, $0xb8;
	[tilespmem:$0xC080] =	vst v63  }
0x75: {  	v3 =	vld [tilespmem:$0x60];
	_ =	sdelay $0x4  }
0x76: {  	v38 =	vshrl.u32 v3, $0x3  }
0x77: {  	v4 =	vmul.u32 $0x18, v38  }
0x78: {  	v3 =	vand.u32 $0x7, v3  }
0x79: {  	v3 =	vor.u32 v3, v4  }
0x7a: {  	v4 =	vperm.xlane v3, v0;
	_ =	sdelay $0x1  }
0x7b: {  	v4 =	vadd.s32 v1, v4;
	_ =	sdelay $0x1  }
0x7c: {  	v3 =	vperm.xlane v3, v2;
	_ =	sdelay $0x1  }
0x7d: {  	s0 =	simm.s32 $0x9080;
	v3 =	vadd.s32 v1, v3  }
0x7e: {  	[tilespmem:s0], [sflag:$0x1] =	stream.indirect_vreg.gather [hbm4b:s1+s3], $0x80, v4, vm0, $0xb8;
	[tilespmem:$0xC080] =	vst v63  }
0x7f: {  	s13 =	simm.s32 $0x9880  }
0x80: {  	[tilespmem:s13], [sflag:$0x1] =	stream.indirect_vreg.gather [hbm4b:s4+s3], $0x80, v4, vm1, $0xb8;
	[tilespmem:$0xC080] =	vst v63  }
0x81: {  	s16 =	simm.s32 $0x9C80  }
0x82: {  	[tilespmem:s16], [sflag:$0x1] =	stream.indirect_vreg.gather [hbm4b:s1+s3], $0x80, v3, vm0, $0xb8;
	[tilespmem:$0xC080] =	vst v63  }
0x83: {  	s17 =	simm.s32 $0xA480  }
0x84: {  	[tilespmem:s17], [sflag:$0x1] =	stream.indirect_vreg.gather [hbm4b:s4+s3], $0x80, v3, vm1, $0xb8;
	[tilespmem:$0xC080] =	vst v63  }
0x85: {  	v3 =	vld [tilespmem:$0x70];
	_ =	sdelay $0x4  }
0x86: {  	v39 =	vshrl.u32 v3, $0x3  }
0x87: {  	v4 =	vmul.u32 $0x18, v39  }
0x88: {  	v3 =	vand.u32 $0x7, v3  }
0x89: {  	v3 =	vor.u32 v3, v4  }
0x8a: {  	v4 =	vperm.xlane v3, v0;
	_ =	sdelay $0x1  }
0x8b: {  	v4 =	vadd.s32 v1, v4;
	_ =	sdelay $0x1  }
0x8c: {  	v3 =	vperm.xlane v3, v2;
	_ =	sdelay $0x1  }
0x8d: {  	s18 =	simm.s32 $0xA880;
	v3 =	vadd.s32 v1, v3  }
0x8e: {  	[tilespmem:s18], [sflag:$0x1] =	stream.indirect_vreg.gather [hbm4b:s1+s3], $0x80, v4, vm0, $0xb8;
	[tilespmem:$0xC080] =	vst v63  }
0x8f: {  	s19 =	simm.s32 $0xB080  }
0x90: {  	[tilespmem:s19], [sflag:$0x1] =	stream.indirect_vreg.gather [hbm4b:s4+s3], $0x80, v4, vm1, $0xb8;
	[tilespmem:$0xC080] =	vst v63  }
0x91: {  	s20 =	simm.s32 $0xB480  }
0x92: {  	[tilespmem:s20], [sflag:$0x1] =	stream.indirect_vreg.gather [hbm4b:s1+s3], $0x80, v3, vm0, $0xb8;
	[tilespmem:$0xC080] =	vst v63  }
0x93: {  	s21 =	simm.s32 $0xBC80  }
0x94: {  	[tilespmem:s21], [sflag:$0x1] =	stream.indirect_vreg.gather [hbm4b:s4+s3], $0x80, v3, vm1, $0xb8;
	[tilespmem:$0xC080] =	vst v63  }
0x95: {  	_ =	swait.ge [sflag:s14], $0xC000  }
0x96: {  	[sflag:s14] =	ssyncset.done $0x0  }
0x97: {  	s24 =	rddreg [dreg:$0x4];
	[sflag:s14] =	ssyncadd.s32 $0xFFFF4000  }
0x98: {  	[hbm4b:s24+s3] =	stream.linear.scatter [tilespmem:s25], [sflag:$0x2], $0xC000, $0x38;
	[tilespmem:$0xC080] =	vst v63  }
0x99: {  	_ =	swait.ge [sflag:s6], $0xC000  }
0x9a: {  	[sflag:s6] =	ssyncset.done $0x0  }
0x9b: {  	s26 =	rddreg [dreg:$0x5];
	[sflag:s6] =	ssyncadd.s32 $0xFFFF4000  }
0x9c: {  	[tilespmem:s3], [sflag:$0x2] =	stream.linear.gather [hbm4b:s26+s3], $0x80, $0x38;
	[tilespmem:$0xC080] =	vst v63  }
0x9d: {  	_ =	swait.ge [sflag:s6], $0x80  }
0x9e: {  	[sflag:s6] =	ssyncset.done $0x0  }
0x9f: {  	[sflag:s6] =	ssyncadd.s32 $0xFFFFFF80  }
0xa0: {  	v3 =	vld [tilespmem:$0x0];
	_ =	sdelay $0x4  }
0xa1: {  	v40 =	vshrl.u32 v3, $0x3  }
0xa2: {  	v4 =	vmul.u32 $0x18, v40  }
0xa3: {  	v3 =	vand.u32 $0x7, v3  }
0xa4: {  	v3 =	vor.u32 v3, v4  }
0xa5: {  	v4 =	vperm.xlane v3, v0;
	_ =	sdelay $0x1  }
0xa6: {  	v4 =	vadd.s32 v1, v4;
	_ =	sdelay $0x1  }
0xa7: {  	v3 =	vperm.xlane v3, v2;
	_ =	sdelay $0x1  }
0xa8: {  	v3 =	vadd.s32 v1, v3  }
0xa9: {  	[tilespmem:s25], [sflag:$0x1] =	stream.indirect_vreg.gather [hbm4b:s1+s3], $0x80, v4, vm0, $0xb8;
	[tilespmem:$0xC080] =	vst v63  }
0xaa: {  	s2 =	simm.s32 $0x880  }
0xab: {  	[tilespmem:s2], [sflag:$0x1] =	stream.indirect_vreg.gather [hbm4b:s4+s3], $0x80, v4, vm1, $0xb8;
	[tilespmem:$0xC080] =	vst v63  }
0xac: {  	s7 =	simm.s32 $0xC80  }
0xad: {  	[tilespmem:s7], [sflag:$0x1] =	stream.indirect_vreg.gather [hbm4b:s1+s3], $0x80, v3, vm0, $0xb8;
	[tilespmem:$0xC080] =	vst v63  }
0xae: {  	s16 =	simm.s32 $0x1480  }
0xaf: {  	[tilespmem:s16], [sflag:$0x1] =	stream.indirect_vreg.gather [hbm4b:s4+s3], $0x80, v3, vm1, $0xb8;
	[tilespmem:$0xC080] =	vst v63  }
0xb0: {  	v3 =	vld [tilespmem:$0x10];
	_ =	sdelay $0x4  }
0xb1: {  	v41 =	vshrl.u32 v3, $0x3  }
0xb2: {  	v4 =	vmul.u32 $0x18, v41  }
0xb3: {  	v3 =	vand.u32 $0x7, v3  }
0xb4: {  	v3 =	vor.u32 v3, v4  }
0xb5: {  	v4 =	vperm.xlane v3, v0;
	_ =	sdelay $0x1  }
0xb6: {  	v4 =	vadd.s32 v1, v4;
	_ =	sdelay $0x1  }
0xb7: {  	v3 =	vperm.xlane v3, v2;
	_ =	sdelay $0x1  }
0xb8: {  	s8 =	simm.s32 $0x1880;
	v3 =	vadd.s32 v1, v3  }
0xb9: {  	[tilespmem:s8], [sflag:$0x1] =	stream.indirect_vreg.gather [hbm4b:s1+s3], $0x80, v4, vm0, $0xb8;
	[tilespmem:$0xC080] =	vst v63  }
0xba: {  	s9 =	simm.s32 $0x2080  }
0xbb: {  	[tilespmem:s9], [sflag:$0x1] =	stream.indirect_vreg.gather [hbm4b:s4+s3], $0x80, v4, vm1, $0xb8;
	[tilespmem:$0xC080] =	vst v63  }
0xbc: {  	s10 =	simm.s32 $0x2480  }
0xbd: {  	[tilespmem:s10], [sflag:$0x1] =	stream.indirect_vreg.gather [hbm4b:s1+s3], $0x80, v3, vm0, $0xb8;
	[tilespmem:$0xC080] =	vst v63  }
0xbe: {  	s12 =	simm.s32 $0x2C80  }
0xbf: {  	[tilespmem:s12], [sflag:$0x1] =	stream.indirect_vreg.gather [hbm4b:s4+s3], $0x80, v3, vm1, $0xb8;
	[tilespmem:$0xC080] =	vst v63  }
0xc0: {  	v3 =	vld [tilespmem:$0x20];
	_ =	sdelay $0x4  }
0xc1: {  	v42 =	vshrl.u32 v3, $0x3  }
0xc2: {  	v4 =	vmul.u32 $0x18, v42  }
0xc3: {  	v3 =	vand.u32 $0x7, v3  }
0xc4: {  	v3 =	vor.u32 v3, v4  }
0xc5: {  	v4 =	vperm.xlane v3, v0;
	_ =	sdelay $0x1  }
0xc6: {  	v4 =	vadd.s32 v1, v4;
	_ =	sdelay $0x1  }
0xc7: {  	v3 =	vperm.xlane v3, v2;
	_ =	sdelay $0x1  }
0xc8: {  	s11 =	simm.s32 $0x3080;
	v3 =	vadd.s32 v1, v3  }
0xc9: {  	[tilespmem:s11], [sflag:$0x1] =	stream.indirect_vreg.gather [hbm4b:s1+s3], $0x80, v4, vm0, $0xb8;
	[tilespmem:$0xC080] =	vst v63  }
0xca: {  	s24 =	simm.s32 $0x3880  }
0xcb: {  	[tilespmem:s24], [sflag:$0x1] =	stream.indirect_vreg.gather [hbm4b:s4+s3], $0x80, v4, vm1, $0xb8;
	[tilespmem:$0xC080] =	vst v63  }
0xcc: {  	s12 =	simm.s32 $0x3C80  }
0xcd: {  	[tilespmem:s12], [sflag:$0x1] =	stream.indirect_vreg.gather [hbm4b:s1+s3], $0x80, v3, vm0, $0xb8;
	[tilespmem:$0xC080] =	vst v63  }
0xce: {  	s13 =	simm.s32 $0x4480  }
0xcf: {  	[tilespmem:s13], [sflag:$0x1] =	stream.indirect_vreg.gather [hbm4b:s4+s3], $0x80, v3, vm1, $0xb8;
	[tilespmem:$0xC080] =	vst v63  }
0xd0: {  	v3 =	vld [tilespmem:$0x30];
	_ =	sdelay $0x4  }
0xd1: {  	v43 =	vshrl.u32 v3, $0x3  }
0xd2: {  	v4 =	vmul.u32 $0x18, v43  }
0xd3: {  	v3 =	vand.u32 $0x7, v3  }
0xd4: {  	v3 =	vor.u32 v3, v4  }
0xd5: {  	v4 =	vperm.xlane v3, v0;
	_ =	sdelay $0x1  }
0xd6: {  	v4 =	vadd.s32 v1, v4;
	_ =	sdelay $0x1  }
0xd7: {  	v3 =	vperm.xlane v3, v2;
	_ =	sdelay $0x1  }
0xd8: {  	s17 =	simm.s32 $0x4880;
	v3 =	vadd.s32 v1, v3  }
0xd9: {  	[tilespmem:s17], [sflag:$0x1] =	stream.indirect_vreg.gather [hbm4b:s1+s3], $0x80, v4, vm0, $0xb8;
	[tilespmem:$0xC080] =	vst v63  }
0xda: {  	s18 =	simm.s32 $0x5080  }
0xdb: {  	[tilespmem:s18], [sflag:$0x1] =	stream.indirect_vreg.gather [hbm4b:s4+s3], $0x80, v4, vm1, $0xb8;
	[tilespmem:$0xC080] =	vst v63  }
0xdc: {  	s19 =	simm.s32 $0x5480  }
0xdd: {  	[tilespmem:s19], [sflag:$0x1] =	stream.indirect_vreg.gather [hbm4b:s1+s3], $0x80, v3, vm0, $0xb8;
	[tilespmem:$0xC080] =	vst v63  }
0xde: {  	s20 =	simm.s32 $0x5C80  }
0xdf: {  	[tilespmem:s20], [sflag:$0x1] =	stream.indirect_vreg.gather [hbm4b:s4+s3], $0x80, v3, vm1, $0xb8;
	[tilespmem:$0xC080] =	vst v63  }
0xe0: {  	v3 =	vld [tilespmem:$0x40];
	_ =	sdelay $0x4  }
0xe1: {  	v44 =	vshrl.u32 v3, $0x3  }
0xe2: {  	v4 =	vmul.u32 $0x18, v44  }
0xe3: {  	v3 =	vand.u32 $0x7, v3  }
0xe4: {  	v3 =	vor.u32 v3, v4  }
0xe5: {  	v4 =	vperm.xlane v3, v0;
	_ =	sdelay $0x1  }
0xe6: {  	v4 =	vadd.s32 v1, v4;
	_ =	sdelay $0x1  }
0xe7: {  	v3 =	vperm.xlane v3, v2;
	_ =	sdelay $0x1  }
0xe8: {  	s0 =	simm.s32 $0x6080;
	v3 =	vadd.s32 v1, v3  }
0xe9: {  	[tilespmem:s0], [sflag:$0x1] =	stream.indirect_vreg.gather [hbm4b:s1+s3], $0x80, v4, vm0, $0xb8;
	[tilespmem:$0xC080] =	vst v63  }
0xea: {  	s2 =	simm.s32 $0x6880  }
0xeb: {  	[tilespmem:s2], [sflag:$0x1] =	stream.indirect_vreg.gather [hbm4b:s4+s3], $0x80, v4, vm1, $0xb8;
	[tilespmem:$0xC080] =	vst v63  }
0xec: {  	s7 =	simm.s32 $0x6C80  }
0xed: {  	[tilespmem:s7], [sflag:$0x1] =	stream.indirect_vreg.gather [hbm4b:s1+s3], $0x80, v3, vm0, $0xb8;
	[tilespmem:$0xC080] =	vst v63  }
0xee: {  	s11 =	simm.s32 $0x7480  }
0xef: {  	[tilespmem:s11], [sflag:$0x1] =	stream.indirect_vreg.gather [hbm4b:s4+s3], $0x80, v3, vm1, $0xb8;
	[tilespmem:$0xC080] =	vst v63  }
0xf0: {  	v3 =	vld [tilespmem:$0x50];
	_ =	sdelay $0x4  }
0xf1: {  	v45 =	vshrl.u32 v3, $0x3  }
0xf2: {  	v4 =	vmul.u32 $0x18, v45  }
0xf3: {  	v3 =	vand.u32 $0x7, v3  }
0xf4: {  	v3 =	vor.u32 v3, v4  }
0xf5: {  	v4 =	vperm.xlane v3, v0;
	_ =	sdelay $0x1  }
0xf6: {  	v4 =	vadd.s32 v1, v4;
	_ =	sdelay $0x1  }
0xf7: {  	v3 =	vperm.xlane v3, v2;
	_ =	sdelay $0x1  }
0xf8: {  	s8 =	simm.s32 $0x7880;
	v3 =	vadd.s32 v1, v3  }
0xf9: {  	[tilespmem:s8], [sflag:$0x1] =	stream.indirect_vreg.gather [hbm4b:s1+s3], $0x80, v4, vm0, $0xb8;
	[tilespmem:$0xC080] =	vst v63  }
0xfa: {  	s9 =	simm.s32 $0x8080  }
0xfb: {  	[tilespmem:s9], [sflag:$0x1] =	stream.indirect_vreg.gather [hbm4b:s4+s3], $0x80, v4, vm1, $0xb8;
	[tilespmem:$0xC080] =	vst v63  }
0xfc: {  	s10 =	simm.s32 $0x8480  }
0xfd: {  	[tilespmem:s10], [sflag:$0x1] =	stream.indirect_vreg.gather [hbm4b:s1+s3], $0x80, v3, vm0, $0xb8;
	[tilespmem:$0xC080] =	vst v63  }
0xfe: {  	s23 =	simm.s32 $0x8C80  }
0xff: {  	[tilespmem:s23], [sflag:$0x1] =	stream.indirect_vreg.gather [hbm4b:s4+s3], $0x80, v3, vm1, $0xb8;
	[tilespmem:$0xC080] =	vst v63  }
0x100: {  	v3 =	vld [tilespmem:$0x60];
	_ =	sdelay $0x4  }
0x101: {  	v46 =	vshrl.u32 v3, $0x3  }
0x102: {  	v4 =	vmul.u32 $0x18, v46  }
0x103: {  	v3 =	vand.u32 $0x7, v3  }
0x104: {  	v3 =	vor.u32 v3, v4  }
0x105: {  	v4 =	vperm.xlane v3, v0;
	_ =	sdelay $0x1  }
0x106: {  	v4 =	vadd.s32 v1, v4;
	_ =	sdelay $0x1  }
0x107: {  	v3 =	vperm.xlane v3, v2;
	_ =	sdelay $0x1  }
0x108: {  	s30 =	simm.s32 $0x9080;
	v3 =	vadd.s32 v1, v3  }
0x109: {  	[tilespmem:s30], [sflag:$0x1] =	stream.indirect_vreg.gather [hbm4b:s1+s3], $0x80, v4, vm0, $0xb8;
	[tilespmem:$0xC080] =	vst v63  }
0x10a: {  	s28 =	simm.s32 $0x9880  }
0x10b: {  	[tilespmem:s28], [sflag:$0x1] =	stream.indirect_vreg.gather [hbm4b:s4+s3], $0x80, v4, vm1, $0xb8;
	[tilespmem:$0xC080] =	vst v63  }
0x10c: {  	s29 =	simm.s32 $0x9C80  }
0x10d: {  	[tilespmem:s29], [sflag:$0x1] =	stream.indirect_vreg.gather [hbm4b:s1+s3], $0x80, v3, vm0, $0xb8;
	[tilespmem:$0xC080] =	vst v63  }
0x10e: {  	s22 =	simm.s32 $0xA480  }
0x10f: {  	[tilespmem:s22], [sflag:$0x1] =	stream.indirect_vreg.gather [hbm4b:s4+s3], $0x80, v3, vm1, $0xb8;
	[tilespmem:$0xC080] =	vst v63  }
0x110: {  	v3 =	vld [tilespmem:$0x70];
	_ =	sdelay $0x4  }
0x111: {  	v47 =	vshrl.u32 v3, $0x3  }
0x112: {  	v4 =	vmul.u32 $0x18, v47  }
0x113: {  	v3 =	vand.u32 $0x7, v3  }
0x114: {  	v3 =	vor.u32 v3, v4  }
0x115: {  	v4 =	vperm.xlane v3, v0;
	_ =	sdelay $0x1  }
0x116: {  	v4 =	vadd.s32 v1, v4;
	_ =	sdelay $0x1  }
0x117: {  	v3 =	vperm.xlane v3, v2;
	_ =	sdelay $0x1  }
0x118: {  	s28 =	simm.s32 $0xA880;
	v3 =	vadd.s32 v1, v3  }
0x119: {  	[tilespmem:s28], [sflag:$0x1] =	stream.indirect_vreg.gather [hbm4b:s1+s3], $0x80, v4, vm0, $0xb8;
	[tilespmem:$0xC080] =	vst v63  }
0x11a: {  	s29 =	simm.s32 $0xB080  }
0x11b: {  	[tilespmem:s29], [sflag:$0x1] =	stream.indirect_vreg.gather [hbm4b:s4+s3], $0x80, v4, vm1, $0xb8;
	[tilespmem:$0xC080] =	vst v63  }
0x11c: {  	s30 =	simm.s32 $0xB480  }
0x11d: {  	[tilespmem:s30], [sflag:$0x1] =	stream.indirect_vreg.gather [hbm4b:s1+s3], $0x80, v3, vm0, $0xb8;
	[tilespmem:$0xC080] =	vst v63  }
0x11e: {  	s21 =	simm.s32 $0xBC80  }
0x11f: {  	[tilespmem:s21], [sflag:$0x1] =	stream.indirect_vreg.gather [hbm4b:s4+s3], $0x80, v3, vm1, $0xb8;
	[tilespmem:$0xC080] =	vst v63  }
0x120: {  	_ =	swait.ge [sflag:s14], $0xC000  }
0x121: {  	[sflag:s14] =	ssyncset.done $0x0  }
0x122: {  	s21 =	rddreg [dreg:$0x6];
	[sflag:s14] =	ssyncadd.s32 $0xFFFF4000  }
0x123: {  	[hbm4b:s21+s3] =	stream.linear.scatter [tilespmem:s25], [sflag:$0x2], $0xC000, $0x38;
	[tilespmem:$0xC080] =	vst v63  }
0x124: {  	_ =	swait.ge [sflag:s6], $0xC000  }
0x125: {  	[sflag:s6] =	ssyncset.done $0x0  }
0x126: {  	s22 =	rddreg [dreg:$0x7];
	[sflag:s6] =	ssyncadd.s32 $0xFFFF4000  }
0x127: {  	[tilespmem:s3], [sflag:$0x2] =	stream.linear.gather [hbm4b:s22+s3], $0x80, $0x38;
	[tilespmem:$0xC080] =	vst v63  }
0x128: {  	_ =	swait.ge [sflag:s6], $0x80  }
0x129: {  	[sflag:s6] =	ssyncset.done $0x0  }
0x12a: {  	[sflag:s6] =	ssyncadd.s32 $0xFFFFFF80  }
0x12b: {  	v3 =	vld [tilespmem:$0x0];
	_ =	sdelay $0x4  }
0x12c: {  	v48 =	vshrl.u32 v3, $0x3  }
0x12d: {  	v4 =	vmul.u32 $0x18, v48  }
0x12e: {  	v3 =	vand.u32 $0x7, v3  }
0x12f: {  	v3 =	vor.u32 v3, v4  }
0x130: {  	v4 =	vperm.xlane v3, v0;
	_ =	sdelay $0x1  }
0x131: {  	v4 =	vadd.s32 v1, v4;
	_ =	sdelay $0x1  }
0x132: {  	v3 =	vperm.xlane v3, v2;
	_ =	sdelay $0x1  }
0x133: {  	v3 =	vadd.s32 v1, v3  }
0x134: {  	[tilespmem:s25], [sflag:$0x1] =	stream.indirect_vreg.gather [hbm4b:s1+s3], $0x80, v4, vm0, $0xb8;
	[tilespmem:$0xC080] =	vst v63  }
0x135: {  	s26 =	simm.s32 $0x880  }
0x136: {  	[tilespmem:s26], [sflag:$0x1] =	stream.indirect_vreg.gather [hbm4b:s4+s3], $0x80, v4, vm1, $0xb8;
	[tilespmem:$0xC080] =	vst v63  }
0x137: {  	s26 =	simm.s32 $0xC80  }
0x138: {  	[tilespmem:s26], [sflag:$0x1] =	stream.indirect_vreg.gather [hbm4b:s1+s3], $0x80, v3, vm0, $0xb8;
	[tilespmem:$0xC080] =	vst v63  }
0x139: {  	_ = 	snop  }
0x13a: {  	[tilespmem:s16], [sflag:$0x1] =	stream.indirect_vreg.gather [hbm4b:s4+s3], $0x80, v3, vm1, $0xb8;
	[tilespmem:$0xC080] =	vst v63  }
0x13b: {  	v3 =	vld [tilespmem:$0x10];
	_ =	sdelay $0x4  }
0x13c: {  	v49 =	vshrl.u32 v3, $0x3  }
0x13d: {  	v4 =	vmul.u32 $0x18, v49  }
0x13e: {  	v3 =	vand.u32 $0x7, v3  }
0x13f: {  	v3 =	vor.u32 v3, v4  }
0x140: {  	v4 =	vperm.xlane v3, v0;
	_ =	sdelay $0x1  }
0x141: {  	v4 =	vadd.s32 v1, v4;
	_ =	sdelay $0x1  }
0x142: {  	v3 =	vperm.xlane v3, v2;
	_ =	sdelay $0x1  }
0x143: {  	s16 =	simm.s32 $0x1880;
	v3 =	vadd.s32 v1, v3  }
0x144: {  	[tilespmem:s16], [sflag:$0x1] =	stream.indirect_vreg.gather [hbm4b:s1+s3], $0x80, v4, vm0, $0xb8;
	[tilespmem:$0xC080] =	vst v63  }
0x145: {  	s26 =	simm.s32 $0x2080  }
0x146: {  	[tilespmem:s26], [sflag:$0x1] =	stream.indirect_vreg.gather [hbm4b:s4+s3], $0x80, v4, vm1, $0xb8;
	[tilespmem:$0xC080] =	vst v63  }
0x147: {  	s16 =	simm.s32 $0x2480  }
0x148: {  	[tilespmem:s16], [sflag:$0x1] =	stream.indirect_vreg.gather [hbm4b:s1+s3], $0x80, v3, vm0, $0xb8;
	[tilespmem:$0xC080] =	vst v63  }
0x149: {  	s26 =	simm.s32 $0x2C80  }
0x14a: {  	[tilespmem:s26], [sflag:$0x1] =	stream.indirect_vreg.gather [hbm4b:s4+s3], $0x80, v3, vm1, $0xb8;
	[tilespmem:$0xC080] =	vst v63  }
0x14b: {  	v3 =	vld [tilespmem:$0x20];
	_ =	sdelay $0x4  }
0x14c: {  	v50 =	vshrl.u32 v3, $0x3  }
0x14d: {  	v4 =	vmul.u32 $0x18, v50  }
0x14e: {  	v3 =	vand.u32 $0x7, v3  }
0x14f: {  	v3 =	vor.u32 v3, v4  }
0x150: {  	v4 =	vperm.xlane v3, v0;
	_ =	sdelay $0x1  }
0x151: {  	v4 =	vadd.s32 v1, v4;
	_ =	sdelay $0x1  }
0x152: {  	v3 =	vperm.xlane v3, v2;
	_ =	sdelay $0x1  }
0x153: {  	s16 =	simm.s32 $0x3080;
	v3 =	vadd.s32 v1, v3  }
0x154: {  	[tilespmem:s16], [sflag:$0x1] =	stream.indirect_vreg.gather [hbm4b:s1+s3], $0x80, v4, vm0, $0xb8;
	[tilespmem:$0xC080] =	vst v63  }
0x155: {  	_ = 	snop  }
0x156: {  	[tilespmem:s24], [sflag:$0x1] =	stream.indirect_vreg.gather [hbm4b:s4+s3], $0x80, v4, vm1, $0xb8;
	[tilespmem:$0xC080] =	vst v63  }
0x157: {  	_ = 	snop  }
0x158: {  	[tilespmem:s12], [sflag:$0x1] =	stream.indirect_vreg.gather [hbm4b:s1+s3], $0x80, v3, vm0, $0xb8;
	[tilespmem:$0xC080] =	vst v63  }
0x159: {  	_ = 	snop  }
0x15a: {  	[tilespmem:s13], [sflag:$0x1] =	stream.indirect_vreg.gather [hbm4b:s4+s3], $0x80, v3, vm1, $0xb8;
	[tilespmem:$0xC080] =	vst v63  }
0x15b: {  	v3 =	vld [tilespmem:$0x30];
	_ =	sdelay $0x4  }
0x15c: {  	v51 =	vshrl.u32 v3, $0x3  }
0x15d: {  	v4 =	vmul.u32 $0x18, v51  }
0x15e: {  	v3 =	vand.u32 $0x7, v3  }
0x15f: {  	v3 =	vor.u32 v3, v4  }
0x160: {  	v4 =	vperm.xlane v3, v0;
	_ =	sdelay $0x1  }
0x161: {  	v4 =	vadd.s32 v1, v4;
	_ =	sdelay $0x1  }
0x162: {  	v3 =	vperm.xlane v3, v2;
	_ =	sdelay $0x1  }
0x163: {  	v3 =	vadd.s32 v1, v3  }
0x164: {  	[tilespmem:s17], [sflag:$0x1] =	stream.indirect_vreg.gather [hbm4b:s1+s3], $0x80, v4, vm0, $0xb8;
	[tilespmem:$0xC080] =	vst v63  }
0x165: {  	_ = 	snop  }
0x166: {  	[tilespmem:s18], [sflag:$0x1] =	stream.indirect_vreg.gather [hbm4b:s4+s3], $0x80, v4, vm1, $0xb8;
	[tilespmem:$0xC080] =	vst v63  }
0x167: {  	_ = 	snop  }
0x168: {  	[tilespmem:s19], [sflag:$0x1] =	stream.indirect_vreg.gather [hbm4b:s1+s3], $0x80, v3, vm0, $0xb8;
	[tilespmem:$0xC080] =	vst v63  }
0x169: {  	_ = 	snop  }
0x16a: {  	[tilespmem:s20], [sflag:$0x1] =	stream.indirect_vreg.gather [hbm4b:s4+s3], $0x80, v3, vm1, $0xb8;
	[tilespmem:$0xC080] =	vst v63  }
0x16b: {  	v3 =	vld [tilespmem:$0x40];
	_ =	sdelay $0x4  }
0x16c: {  	v52 =	vshrl.u32 v3, $0x3  }
0x16d: {  	v4 =	vmul.u32 $0x18, v52  }
0x16e: {  	v3 =	vand.u32 $0x7, v3  }
0x16f: {  	v3 =	vor.u32 v3, v4  }
0x170: {  	v4 =	vperm.xlane v3, v0;
	_ =	sdelay $0x1  }
0x171: {  	v4 =	vadd.s32 v1, v4;
	_ =	sdelay $0x1  }
0x172: {  	v3 =	vperm.xlane v3, v2;
	_ =	sdelay $0x1  }
0x173: {  	v3 =	vadd.s32 v1, v3  }
0x174: {  	[tilespmem:s0], [sflag:$0x1] =	stream.indirect_vreg.gather [hbm4b:s1+s3], $0x80, v4, vm0, $0xb8;
	[tilespmem:$0xC080] =	vst v63  }
0x175: {  	_ = 	snop  }
0x176: {  	[tilespmem:s2], [sflag:$0x1] =	stream.indirect_vreg.gather [hbm4b:s4+s3], $0x80, v4, vm1, $0xb8;
	[tilespmem:$0xC080] =	vst v63  }
0x177: {  	_ = 	snop  }
0x178: {  	[tilespmem:s7], [sflag:$0x1] =	stream.indirect_vreg.gather [hbm4b:s1+s3], $0x80, v3, vm0, $0xb8;
	[tilespmem:$0xC080] =	vst v63  }
0x179: {  	_ = 	snop  }
0x17a: {  	[tilespmem:s11], [sflag:$0x1] =	stream.indirect_vreg.gather [hbm4b:s4+s3], $0x80, v3, vm1, $0xb8;
	[tilespmem:$0xC080] =	vst v63  }
0x17b: {  	v3 =	vld [tilespmem:$0x50];
	_ =	sdelay $0x4  }
0x17c: {  	v53 =	vshrl.u32 v3, $0x3  }
0x17d: {  	v4 =	vmul.u32 $0x18, v53  }
0x17e: {  	v3 =	vand.u32 $0x7, v3  }
0x17f: {  	v3 =	vor.u32 v3, v4  }
0x180: {  	v4 =	vperm.xlane v3, v0;
	_ =	sdelay $0x1  }
0x181: {  	v4 =	vadd.s32 v1, v4;
	_ =	sdelay $0x1  }
0x182: {  	v3 =	vperm.xlane v3, v2;
	_ =	sdelay $0x1  }
0x183: {  	v3 =	vadd.s32 v1, v3  }
0x184: {  	[tilespmem:s8], [sflag:$0x1] =	stream.indirect_vreg.gather [hbm4b:s1+s3], $0x80, v4, vm0, $0xb8;
	[tilespmem:$0xC080] =	vst v63  }
0x185: {  	_ = 	snop  }
0x186: {  	[tilespmem:s9], [sflag:$0x1] =	stream.indirect_vreg.gather [hbm4b:s4+s3], $0x80, v4, vm1, $0xb8;
	[tilespmem:$0xC080] =	vst v63  }
0x187: {  	_ = 	snop  }
0x188: {  	[tilespmem:s10], [sflag:$0x1] =	stream.indirect_vreg.gather [hbm4b:s1+s3], $0x80, v3, vm0, $0xb8;
	[tilespmem:$0xC080] =	vst v63  }
0x189: {  	s26 =	simm.s32 $0x8C80  }
0x18a: {  	[tilespmem:s26], [sflag:$0x1] =	stream.indirect_vreg.gather [hbm4b:s4+s3], $0x80, v3, vm1, $0xb8;
	[tilespmem:$0xC080] =	vst v63  }
0x18b: {  	v3 =	vld [tilespmem:$0x60];
	_ =	sdelay $0x4  }
0x18c: {  	v54 =	vshrl.u32 v3, $0x3  }
0x18d: {  	v4 =	vmul.u32 $0x18, v54  }
0x18e: {  	v3 =	vand.u32 $0x7, v3  }
0x18f: {  	v3 =	vor.u32 v3, v4  }
0x190: {  	v4 =	vperm.xlane v3, v0;
	_ =	sdelay $0x1  }
0x191: {  	v4 =	vadd.s32 v1, v4;
	_ =	sdelay $0x1  }
0x192: {  	v3 =	vperm.xlane v3, v2;
	_ =	sdelay $0x1  }
0x193: {  	s31 =	simm.s32 $0x9080;
	v3 =	vadd.s32 v1, v3  }
0x194: {  	[tilespmem:s31], [sflag:$0x1] =	stream.indirect_vreg.gather [hbm4b:s1+s3], $0x80, v4, vm0, $0xb8;
	[tilespmem:$0xC080] =	vst v63  }
0x195: {  	s24 =	simm.s32 $0x9880  }
0x196: {  	[tilespmem:s24], [sflag:$0x1] =	stream.indirect_vreg.gather [hbm4b:s4+s3], $0x80, v4, vm1, $0xb8;
	[tilespmem:$0xC080] =	vst v63  }
0x197: {  	s23 =	simm.s32 $0x9C80  }
0x198: {  	[tilespmem:s23], [sflag:$0x1] =	stream.indirect_vreg.gather [hbm4b:s1+s3], $0x80, v3, vm0, $0xb8;
	[tilespmem:$0xC080] =	vst v63  }
0x199: {  	s26 =	simm.s32 $0xA480  }
0x19a: {  	[tilespmem:s26], [sflag:$0x1] =	stream.indirect_vreg.gather [hbm4b:s4+s3], $0x80, v3, vm1, $0xb8;
	[tilespmem:$0xC080] =	vst v63  }
0x19b: {  	v3 =	vld [tilespmem:$0x70];
	_ =	sdelay $0x4  }
0x19c: {  	v55 =	vshrl.u32 v3, $0x3  }
0x19d: {  	v4 =	vmul.u32 $0x18, v55  }
0x19e: {  	v3 =	vand.u32 $0x7, v3  }
0x19f: {  	v3 =	vor.u32 v3, v4  }
0x1a0: {  	v4 =	vperm.xlane v3, v0;
	_ =	sdelay $0x1  }
0x1a1: {  	v4 =	vadd.s32 v1, v4;
	_ =	sdelay $0x1  }
0x1a2: {  	v3 =	vperm.xlane v3, v2;
	_ =	sdelay $0x1  }
0x1a3: {  	s28 =	simm.s32 $0xA880;
	v3 =	vadd.s32 v1, v3  }
0x1a4: {  	[tilespmem:s28], [sflag:$0x1] =	stream.indirect_vreg.gather [hbm4b:s1+s3], $0x80, v4, vm0, $0xb8;
	[tilespmem:$0xC080] =	vst v63  }
0x1a5: {  	s29 =	simm.s32 $0xB080  }
0x1a6: {  	[tilespmem:s29], [sflag:$0x1] =	stream.indirect_vreg.gather [hbm4b:s4+s3], $0x80, v4, vm1, $0xb8;
	[tilespmem:$0xC080] =	vst v63  }
0x1a7: {  	s30 =	simm.s32 $0xB480  }
0x1a8: {  	[tilespmem:s30], [sflag:$0x1] =	stream.indirect_vreg.gather [hbm4b:s1+s3], $0x80, v3, vm0, $0xb8;
	[tilespmem:$0xC080] =	vst v63  }
0x1a9: {  	s29 =	simm.s32 $0xBC80  }
0x1aa: {  	[tilespmem:s29], [sflag:$0x1] =	stream.indirect_vreg.gather [hbm4b:s4+s3], $0x80, v3, vm1, $0xb8;
	[tilespmem:$0xC080] =	vst v63  }
0x1ab: {  	_ =	swait.ge [sflag:s14], $0xC000  }
0x1ac: {  	[sflag:s14] =	ssyncset.done $0x0  }
0x1ad: {  	s30 =	rddreg [dreg:$0x8];
	[sflag:s14] =	ssyncadd.s32 $0xFFFF4000  }
0x1ae: {  	[hbm4b:s30+s3] =	stream.linear.scatter [tilespmem:s25], [sflag:$0x2], $0xC000, $0x38;
	[tilespmem:$0xC080] =	vst v63  }
0x1af: {  	_ =	swait.ge [sflag:s6], $0xC000  }
0x1b0: {  	[sflag:s6] =	ssyncset.done $0x0  }
0x1b1: {  	s30 =	rddreg [dreg:$0x9];
	[sflag:s6] =	ssyncadd.s32 $0xFFFF4000  }
0x1b2: {  	[tilespmem:s3], [sflag:$0x2] =	stream.linear.gather [hbm4b:s30+s3], $0x80, $0x38;
	[tilespmem:$0xC080] =	vst v63  }
0x1b3: {  	_ =	swait.ge [sflag:s6], $0x80  }
0x1b4: {  	[sflag:s6] =	ssyncset.done $0x0  }
0x1b5: {  	[sflag:s6] =	ssyncadd.s32 $0xFFFFFF80  }
0x1b6: {  	v3 =	vld [tilespmem:$0x0];
	_ =	sdelay $0x4  }
0x1b7: {  	v56 =	vshrl.u32 v3, $0x3  }
0x1b8: {  	v4 =	vmul.u32 $0x18, v56  }
0x1b9: {  	v3 =	vand.u32 $0x7, v3  }
0x1ba: {  	v3 =	vor.u32 v3, v4  }
0x1bb: {  	v4 =	vperm.xlane v3, v0;
	_ =	sdelay $0x1  }
0x1bc: {  	v4 =	vadd.s32 v1, v4;
	_ =	sdelay $0x1  }
0x1bd: {  	v3 =	vperm.xlane v3, v2;
	_ =	sdelay $0x1  }
0x1be: {  	v3 =	vadd.s32 v1, v3  }
0x1bf: {  	[tilespmem:s25], [sflag:$0x1] =	stream.indirect_vreg.gather [hbm4b:s1+s3], $0x80, v4, vm0, $0xb8;
	[tilespmem:$0xC080] =	vst v63  }
0x1c0: {  	s22 =	simm.s32 $0x880  }
0x1c1: {  	[tilespmem:s22], [sflag:$0x1] =	stream.indirect_vreg.gather [hbm4b:s4+s3], $0x80, v4, vm1, $0xb8;
	[tilespmem:$0xC080] =	vst v63  }
0x1c2: {  	s30 =	simm.s32 $0xC80  }
0x1c3: {  	[tilespmem:s30], [sflag:$0x1] =	stream.indirect_vreg.gather [hbm4b:s1+s3], $0x80, v3, vm0, $0xb8;
	[tilespmem:$0xC080] =	vst v63  }
0x1c4: {  	s21 =	simm.s32 $0x1480  }
0x1c5: {  	[tilespmem:s21], [sflag:$0x1] =	stream.indirect_vreg.gather [hbm4b:s4+s3], $0x80, v3, vm1, $0xb8;
	[tilespmem:$0xC080] =	vst v63  }
0x1c6: {  	v3 =	vld [tilespmem:$0x10];
	_ =	sdelay $0x4  }
0x1c7: {  	v57 =	vshrl.u32 v3, $0x3  }
0x1c8: {  	v4 =	vmul.u32 $0x18, v57  }
0x1c9: {  	v3 =	vand.u32 $0x7, v3  }
0x1ca: {  	v3 =	vor.u32 v3, v4  }
0x1cb: {  	v4 =	vperm.xlane v3, v0;
	_ =	sdelay $0x1  }
0x1cc: {  	v4 =	vadd.s32 v1, v4;
	_ =	sdelay $0x1  }
0x1cd: {  	v3 =	vperm.xlane v3, v2;
	_ =	sdelay $0x1  }
0x1ce: {  	s22 =	simm.s32 $0x1880;
	v3 =	vadd.s32 v1, v3  }
0x1cf: {  	[tilespmem:s22], [sflag:$0x1] =	stream.indirect_vreg.gather [hbm4b:s1+s3], $0x80, v4, vm0, $0xb8;
	[tilespmem:$0xC080] =	vst v63  }
0x1d0: {  	s30 =	simm.s32 $0x2080  }
0x1d1: {  	[tilespmem:s30], [sflag:$0x1] =	stream.indirect_vreg.gather [hbm4b:s4+s3], $0x80, v4, vm1, $0xb8;
	[tilespmem:$0xC080] =	vst v63  }
0x1d2: {  	s21 =	simm.s32 $0x2480  }
0x1d3: {  	[tilespmem:s21], [sflag:$0x1] =	stream.indirect_vreg.gather [hbm4b:s1+s3], $0x80, v3, vm0, $0xb8;
	[tilespmem:$0xC080] =	vst v63  }
0x1d4: {  	s22 =	simm.s32 $0x2C80  }
0x1d5: {  	[tilespmem:s22], [sflag:$0x1] =	stream.indirect_vreg.gather [hbm4b:s4+s3], $0x80, v3, vm1, $0xb8;
	[tilespmem:$0xC080] =	vst v63  }
0x1d6: {  	v3 =	vld [tilespmem:$0x20];
	_ =	sdelay $0x4  }
0x1d7: {  	v58 =	vshrl.u32 v3, $0x3  }
0x1d8: {  	v4 =	vmul.u32 $0x18, v58  }
0x1d9: {  	v3 =	vand.u32 $0x7, v3  }
0x1da: {  	v3 =	vor.u32 v3, v4  }
0x1db: {  	v4 =	vperm.xlane v3, v0;
	_ =	sdelay $0x1  }
0x1dc: {  	v4 =	vadd.s32 v1, v4;
	_ =	sdelay $0x1  }
0x1dd: {  	v3 =	vperm.xlane v3, v2;
	_ =	sdelay $0x1  }
0x1de: {  	s30 =	simm.s32 $0x3080;
	v3 =	vadd.s32 v1, v3  }
0x1df: {  	[tilespmem:s30], [sflag:$0x1] =	stream.indirect_vreg.gather [hbm4b:s1+s3], $0x80, v4, vm0, $0xb8;
	[tilespmem:$0xC080] =	vst v63  }
0x1e0: {  	s16 =	simm.s32 $0x3880  }
0x1e1: {  	[tilespmem:s16], [sflag:$0x1] =	stream.indirect_vreg.gather [hbm4b:s4+s3], $0x80, v4, vm1, $0xb8;
	[tilespmem:$0xC080] =	vst v63  }
0x1e2: {  	s12 =	simm.s32 $0x3C80  }
0x1e3: {  	[tilespmem:s12], [sflag:$0x1] =	stream.indirect_vreg.gather [hbm4b:s1+s3], $0x80, v3, vm0, $0xb8;
	[tilespmem:$0xC080] =	vst v63  }
0x1e4: {  	s13 =	simm.s32 $0x4480  }
0x1e5: {  	[tilespmem:s13], [sflag:$0x1] =	stream.indirect_vreg.gather [hbm4b:s4+s3], $0x80, v3, vm1, $0xb8;
	[tilespmem:$0xC080] =	vst v63  }
0x1e6: {  	v3 =	vld [tilespmem:$0x30];
	_ =	sdelay $0x4  }
0x1e7: {  	v59 =	vshrl.u32 v3, $0x3  }
0x1e8: {  	v4 =	vmul.u32 $0x18, v59  }
0x1e9: {  	v3 =	vand.u32 $0x7, v3  }
0x1ea: {  	v3 =	vor.u32 v3, v4  }
0x1eb: {  	v4 =	vperm.xlane v3, v0;
	_ =	sdelay $0x1  }
0x1ec: {  	v4 =	vadd.s32 v1, v4;
	_ =	sdelay $0x1  }
0x1ed: {  	v3 =	vperm.xlane v3, v2;
	_ =	sdelay $0x1  }
0x1ee: {  	s17 =	simm.s32 $0x4880;
	v3 =	vadd.s32 v1, v3  }
0x1ef: {  	[tilespmem:s17], [sflag:$0x1] =	stream.indirect_vreg.gather [hbm4b:s1+s3], $0x80, v4, vm0, $0xb8;
	[tilespmem:$0xC080] =	vst v63  }
0x1f0: {  	s18 =	simm.s32 $0x5080  }
0x1f1: {  	[tilespmem:s18], [sflag:$0x1] =	stream.indirect_vreg.gather [hbm4b:s4+s3], $0x80, v4, vm1, $0xb8;
	[tilespmem:$0xC080] =	vst v63  }
0x1f2: {  	s19 =	simm.s32 $0x5480  }
0x1f3: {  	[tilespmem:s19], [sflag:$0x1] =	stream.indirect_vreg.gather [hbm4b:s1+s3], $0x80, v3, vm0, $0xb8;
	[tilespmem:$0xC080] =	vst v63  }
0x1f4: {  	s20 =	simm.s32 $0x5C80  }
0x1f5: {  	[tilespmem:s20], [sflag:$0x1] =	stream.indirect_vreg.gather [hbm4b:s4+s3], $0x80, v3, vm1, $0xb8;
	[tilespmem:$0xC080] =	vst v63  }
0x1f6: {  	v3 =	vld [tilespmem:$0x40];
	_ =	sdelay $0x4  }
0x1f7: {  	v60 =	vshrl.u32 v3, $0x3  }
0x1f8: {  	v4 =	vmul.u32 $0x18, v60  }
0x1f9: {  	v3 =	vand.u32 $0x7, v3  }
0x1fa: {  	v3 =	vor.u32 v3, v4  }
0x1fb: {  	v4 =	vperm.xlane v3, v0;
	_ =	sdelay $0x1  }
0x1fc: {  	v4 =	vadd.s32 v1, v4;
	_ =	sdelay $0x1  }
0x1fd: {  	v3 =	vperm.xlane v3, v2;
	_ =	sdelay $0x1  }
0x1fe: {  	s0 =	simm.s32 $0x6080;
	v3 =	vadd.s32 v1, v3  }
0x1ff: {  	[tilespmem:s0], [sflag:$0x1] =	stream.indirect_vreg.gather [hbm4b:s1+s3], $0x80, v4, vm0, $0xb8;
	[tilespmem:$0xC080] =	vst v63  }
0x200: {  	s2 =	simm.s32 $0x6880  }
0x201: {  	[tilespmem:s2], [sflag:$0x1] =	stream.indirect_vreg.gather [hbm4b:s4+s3], $0x80, v4, vm1, $0xb8;
	[tilespmem:$0xC080] =	vst v63  }
0x202: {  	s7 =	simm.s32 $0x6C80  }
0x203: {  	[tilespmem:s7], [sflag:$0x1] =	stream.indirect_vreg.gather [hbm4b:s1+s3], $0x80, v3, vm0, $0xb8;
	[tilespmem:$0xC080] =	vst v63  }
0x204: {  	s11 =	simm.s32 $0x7480  }
0x205: {  	[tilespmem:s11], [sflag:$0x1] =	stream.indirect_vreg.gather [hbm4b:s4+s3], $0x80, v3, vm1, $0xb8;
	[tilespmem:$0xC080] =	vst v63  }
0x206: {  	v3 =	vld [tilespmem:$0x50];
	_ =	sdelay $0x4  }
0x207: {  	v61 =	vshrl.u32 v3, $0x3  }
0x208: {  	v4 =	vmul.u32 $0x18, v61  }
0x209: {  	v3 =	vand.u32 $0x7, v3  }
0x20a: {  	v3 =	vor.u32 v3, v4  }
0x20b: {  	v4 =	vperm.xlane v3, v0;
	_ =	sdelay $0x1  }
0x20c: {  	v4 =	vadd.s32 v1, v4;
	_ =	sdelay $0x1  }
0x20d: {  	v3 =	vperm.xlane v3, v2;
	_ =	sdelay $0x1  }
0x20e: {  	s8 =	simm.s32 $0x7880;
	v3 =	vadd.s32 v1, v3  }
0x20f: {  	[tilespmem:s8], [sflag:$0x1] =	stream.indirect_vreg.gather [hbm4b:s1+s3], $0x80, v4, vm0, $0xb8;
	[tilespmem:$0xC080] =	vst v63  }
0x210: {  	s9 =	simm.s32 $0x8080  }
0x211: {  	[tilespmem:s9], [sflag:$0x1] =	stream.indirect_vreg.gather [hbm4b:s4+s3], $0x80, v4, vm1, $0xb8;
	[tilespmem:$0xC080] =	vst v63  }
0x212: {  	s10 =	simm.s32 $0x8480  }
0x213: {  	[tilespmem:s10], [sflag:$0x1] =	stream.indirect_vreg.gather [hbm4b:s1+s3], $0x80, v3, vm0, $0xb8;
	[tilespmem:$0xC080] =	vst v63  }
0x214: {  	s21 =	simm.s32 $0x8C80  }
0x215: {  	[tilespmem:s21], [sflag:$0x1] =	stream.indirect_vreg.gather [hbm4b:s4+s3], $0x80, v3, vm1, $0xb8;
	[tilespmem:$0xC080] =	vst v63  }
0x216: {  	v3 =	vld [tilespmem:$0x60];
	_ =	sdelay $0x4  }
0x217: {  	v62 =	vshrl.u32 v3, $0x3  }
0x218: {  	v4 =	vmul.u32 $0x18, v62  }
0x219: {  	v3 =	vand.u32 $0x7, v3  }
0x21a: {  	v3 =	vor.u32 v3, v4  }
0x21b: {  	v4 =	vperm.xlane v3, v0;
	_ =	sdelay $0x1  }
0x21c: {  	v4 =	vadd.s32 v1, v4;
	_ =	sdelay $0x1  }
0x21d: {  	v3 =	vperm.xlane v3, v2;
	_ =	sdelay $0x1  }
0x21e: {  	s31 =	simm.s32 $0x9080;
	v3 =	vadd.s32 v1, v3  }
0x21f: {  	[tilespmem:s31], [sflag:$0x1] =	stream.indirect_vreg.gather [hbm4b:s1+s3], $0x80, v4, vm0, $0xb8;
	[tilespmem:$0xC080] =	vst v63  }
0x220: {  	s22 =	simm.s32 $0x9880  }
0x221: {  	[tilespmem:s22], [sflag:$0x1] =	stream.indirect_vreg.gather [hbm4b:s4+s3], $0x80, v4, vm1, $0xb8;
	[tilespmem:$0xC080] =	vst v63  }
0x222: {  	s24 =	simm.s32 $0x9C80  }
0x223: {  	[tilespmem:s24], [sflag:$0x1] =	stream.indirect_vreg.gather [hbm4b:s1+s3], $0x80, v3, vm0, $0xb8;
	[tilespmem:$0xC080] =	vst v63  }
0x224: {  	s30 =	simm.s32 $0xA480  }
0x225: {  	[tilespmem:s30], [sflag:$0x1] =	stream.indirect_vreg.gather [hbm4b:s4+s3], $0x80, v3, vm1, $0xb8;
	[tilespmem:$0xC080] =	vst v63  }
0x226: {  	v3 =	vld [tilespmem:$0x70];
	_ =	sdelay $0x4  }
0x227: {  	v63 =	vshrl.u32 v3, $0x3  }
0x228: {  	v4 =	vmul.u32 $0x18, v63  }
0x229: {  	v3 =	vand.u32 $0x7, v3  }
0x22a: {  	v3 =	vor.u32 v3, v4  }
0x22b: {  	v4 =	vperm.xlane v3, v0;
	_ =	sdelay $0x1  }
0x22c: {  	v4 =	vadd.s32 v1, v4;
	_ =	sdelay $0x1  }
0x22d: {  	v3 =	vperm.xlane v3, v2;
	_ =	sdelay $0x1  }
0x22e: {  	s23 =	simm.s32 $0xA880;
	v3 =	vadd.s32 v1, v3  }
0x22f: {  	[tilespmem:s23], [sflag:$0x1] =	stream.indirect_vreg.gather [hbm4b:s1+s3], $0x80, v4, vm0, $0xb8;
	[tilespmem:$0xC080] =	vst v63  }
0x230: {  	s26 =	simm.s32 $0xB080  }
0x231: {  	[tilespmem:s26], [sflag:$0x1] =	stream.indirect_vreg.gather [hbm4b:s4+s3], $0x80, v4, vm1, $0xb8;
	[tilespmem:$0xC080] =	vst v63  }
0x232: {  	s28 =	simm.s32 $0xB480  }
0x233: {  	[tilespmem:s28], [sflag:$0x1] =	stream.indirect_vreg.gather [hbm4b:s1+s3], $0x80, v3, vm0, $0xb8;
	[tilespmem:$0xC080] =	vst v63  }
0x234: {  	s29 =	simm.s32 $0xBC80  }
0x235: {  	[tilespmem:s29], [sflag:$0x1] =	stream.indirect_vreg.gather [hbm4b:s4+s3], $0x80, v3, vm1, $0xb8;
	[tilespmem:$0xC080] =	vst v63  }
0x236: {  	_ =	swait.ge [sflag:s14], $0xC000  }
0x237: {  	p0 =	sne.s32 s5, $0x1;
	[sflag:s14] =	ssyncset.done $0x0  }
.Ltmp0:
0x238: {  	s31 =	rddreg [dreg:$0xa];
	[sflag:s14] =	ssyncadd.s32 $0xFFFF4000;
	(pc) =	sbr.rel @p0 .LBB2_1-.Ltmp0, $4  }
0x239: {  	[hbm4b:s31+s3] =	stream.linear.scatter [tilespmem:s25], [sflag:$0x2], $0xC000, $0x38;
	[tilespmem:$0xC080] =	vst v63  }
0x23a: {  	_ =	swait.ge [sflag:s6], $0xC000  }
0x23b: {  	[sflag:s6] =	ssyncset.done $0x0  }
0x23c: {  	s5 =	sadd.s32 $0xFFFFFFFF, s5;
	[sflag:s6] =	ssyncadd.s32 $0xFFFF4000  }
0x23d: {  	_ =	sfence.sel $0x180000  }
0x23e: {  	[bflag:$0x0] =	sbarrier.arrive $0xFFFF  }
0x23f: {  	_ =	strace $0x90000047  }
0x240: {  	s0 =	stileid.u32;
	[bflag:$0x2] =	sbarrier.arrive $0xFFFF  }
0x241: {  	p0 =	sne.s32 s0, $0x0;
	s0 =	rddreg [dreg:$0x2]  }
0x242: {  	s0 =	sadd.s32 @!p0 $0x100000, s0  }
0x243: {  	[sflag:s0] =	ssyncadd.tile.s32 @!p0 $0x1;
	_ =	shalt  }
.Lfunc_end2:
_tile_overlayer_lowered:
.L_overlay_start_2:
0x244: {  	(tag) =	ssettag $0x2  }
0x245: {  	s0 =	rddreg [dreg:$0x0];
	s2 =	stileid.u32  }
0x246: {  	s1 =	rddreg [dreg:$0x1];
	p0 =	sne.s32 s2, $0x0  }
0x247: {  	s3 =	rddreg [dreg:$0x2];
	[bflag:$0x3] =	sbarrier.arrive $0xFFFF;
	s2 =	simm.s32 @!p0 $0x1C02  }
0x248: {  	[timem:s3], [sflag:s2] =	dma.local @!p0 [hbm:s0], s1  }
0x249: {  	s0 =	simm.s32 @!p0 $0x2  }
0x24a: {  	_ =	swait.ge @!p0 [sflag:s0], s1  }
0x24b: {  	s1 =	ssub.s32 @!p0 $0x0, s1;
	[sflag:s0] =	ssyncset.done @!p0 $0x0  }
0x24c: {  	[sflag:s0] =	ssyncadd.s32 @!p0 s1  }
0x24d: {  	[bflag:$0x3] =	sbarrier.arrive $0xFFFF  }
0x24e: {  	_ =	shalt  }

</sc_bundles>
